<compile_context>
chip_gen: v7x
topology: tpu7x:2x2x1
jax: 0.10.2.dev20260603
libtpu: 0.0.44.dev20260713+nightly
codegen_flags: <defaults>
</compile_context>

<pallas_src>
import dataclasses
import functools

import jax
import jax.numpy as jnp
from jax import lax
from jax.experimental import pallas as pl
from jax.experimental.pallas import tpu as pltpu
from jax.experimental.pallas import tpu_sc as plsc

H = 512
W = 512
NPIX = float(H * W)
NTILES = 32
ROWS_PER_TILE = H // NTILES
NBINS = 100
LOG2 = 0.6931471805599453
L1 = 0.3132616875182228
SIG1 = 0.7310585786300049



def _prep_kernel(p_ref, t_ref, cls_ref, ppo_ref, g_ref, s_ref):
    best = p_ref[0]
    cls = jnp.zeros((H, W), jnp.int32)
    for c in range(1, 5):
        pc = p_ref[c]
        m = pc > best
        best = jnp.where(m, pc, best)
        cls = jnp.where(m, c, cls)
    ppo = jnp.where(cls > 0, best, 0.0)
    gterm = jnp.maximum(ppo, 0.0) + jnp.log1p(jnp.exp(-jnp.abs(ppo)))

    cls_ref[...] = cls
    ppo_ref[...] = ppo
    g_ref[...] = gterm

    tgt = t_ref[...]
    colzero = jnp.max(cls, axis=0, keepdims=True) == 0
    t0 = tgt == 0
    s_ref[0, 0] = jnp.sum(colzero.astype(jnp.float32))
    s_ref[0, 1] = jnp.sum(jnp.where(colzero & t0, 1.0, 0.0))
    s_ref[0, 2] = jnp.sum(t0.astype(jnp.float32))



def _ccl_kernel(cls_ref, ncc_ref):
    cls = cls_ref[...]
    row = lax.broadcasted_iota(jnp.int32, (H, W), 0)
    col = lax.broadcasted_iota(jnp.int32, (H, W), 1)
    idx = row * W + col + 1
    lab0 = jnp.where(cls > 0, idx, 0)

    adj1 = (jnp.where(row == 0, -1, jnp.roll(cls, 1, 0)) == cls)
    adj2 = (jnp.where(row == H - 1, -1, jnp.roll(cls, -1, 0)) == cls)
    adj3 = (jnp.where(col == 0, -1, jnp.roll(cls, 1, 1)) == cls)
    adj4 = (jnp.where(col == W - 1, -1, jnp.roll(cls, -1, 1)) == cls)

    def step(lab):
        m = lab
        m = jnp.maximum(m, jnp.where(adj1, jnp.roll(lab, 1, 0), 0))
        m = jnp.maximum(m, jnp.where(adj2, jnp.roll(lab, -1, 0), 0))
        m = jnp.maximum(m, jnp.where(adj3, jnp.roll(lab, 1, 1), 0))
        m = jnp.maximum(m, jnp.where(adj4, jnp.roll(lab, -1, 1), 0))
        return m

    def body(carry):
        lab, _ = carry
        new = step(step(lab))
        return new, jnp.any(new != lab)

    lab, _ = lax.while_loop(lambda c: c[1], body, (lab0, jnp.bool_(True)))

    roots = lab == idx
    for v in range(1, 5):
        ncc_ref[0, v - 1] = jnp.sum(((cls == v) & roots).astype(jnp.int32))



def _sc_stats(cls, tgt, ppo, gterm):
    mesh = plsc.VectorSubcoreMesh(core_axis_name="c", subcore_axis_name="s")
    cp = pltpu.CompilerParams()
    if "needs_layout_passes" in pltpu.CompilerParams.__dataclass_fields__:
        cp = dataclasses.replace(cp, needs_layout_passes=False)

    @functools.partial(
        pl.kernel,
        mesh=mesh,
        compiler_params=cp,
        out_type=jax.ShapeDtypeStruct((NTILES, 16, NBINS), jnp.float32),
        scratch_types=[
            pltpu.VMEM((ROWS_PER_TILE, W), jnp.int32),
            pltpu.VMEM((ROWS_PER_TILE, W), jnp.int32),
            pltpu.VMEM((ROWS_PER_TILE, W), jnp.float32),
            pltpu.VMEM((ROWS_PER_TILE, W), jnp.float32),
            pltpu.VMEM((16, NBINS), jnp.float32),
        ],
    )
    def stats_kernel(cls_hbm, tgt_hbm, ppo_hbm, g_hbm, out_hbm,
                     cls_v, tgt_v, ppo_v, g_v, acc):
        wid = lax.axis_index("s") * 2 + lax.axis_index("c")
        r0 = wid * ROWS_PER_TILE
        pltpu.sync_copy(cls_hbm.at[pl.ds(r0, ROWS_PER_TILE)], cls_v)
        pltpu.sync_copy(tgt_hbm.at[pl.ds(r0, ROWS_PER_TILE)], tgt_v)
        pltpu.sync_copy(ppo_hbm.at[pl.ds(r0, ROWS_PER_TILE)], ppo_v)
        pltpu.sync_copy(g_hbm.at[pl.ds(r0, ROWS_PER_TILE)], g_v)

        zeros16 = jnp.zeros((16,), jnp.float32)
        ones16 = jnp.ones((16,), jnp.float32)
        lane = lax.broadcasted_iota(jnp.int32, (16,), 0)

        @pl.loop(0, 16)
        def _(i):
            @pl.loop(0, NBINS, step=16)
            def _(j):
                acc[i, pl.ds(j, 16)] = zeros16

        @pl.loop(0, ROWS_PER_TILE)
        def _(r):
            @pl.loop(0, W, step=16)
            def _(j):
                c16 = cls_v[r, pl.ds(j, 16)]
                t16 = tgt_v[r, pl.ds(j, 16)]
                v16 = ppo_v[r, pl.ds(j, 16)]
                g16 = g_v[r, pl.ds(j, 16)]
                key = c16 * 5 + t16
                sg = ones16 / (ones16 + jnp.exp(-v16))
                plsc.addupdate_scatter(acc, [lane, key], ones16)
                plsc.addupdate_scatter(acc, [lane, key + 25], v16)
                plsc.addupdate_scatter(acc, [lane, key + 50], sg)
                plsc.addupdate_scatter(acc, [lane, key + 75], g16)

        pltpu.sync_copy(acc, out_hbm.at[wid])

    return stats_kernel(cls, tgt, ppo, gterm)



def _final_kernel(b_ref, ncc_ref, s_ref, o_ref):
    b2 = jnp.sum(b_ref[...], axis=0, keepdims=True)

    def bv(k):
        return b2[0, k]

    Z, q, n0t = s_ref[0, 0], s_ref[0, 1], s_ref[0, 2]
    bce0 = ((NPIX - H * Z) * LOG2 + H * Z * (1.0 + L1) - q) / NPIX
    inter0 = SIG1 * q + 0.5 * (n0t - q)
    sumP0 = SIG1 * H * Z + 0.5 * (NPIX - H * Z)
    dice0 = 1.0 - (2.0 * inter0 + 1.0) / (sumP0 + n0t + 1.0)
    res = bce0 + dice0

    n_ct = [[bv(c * 5 + t).astype(jnp.int32) for t in range(5)]
            for c in range(5)]
    B_ct = [[bv(25 + c * 5 + t) for t in range(5)] for c in range(5)]
    S_ct = [[bv(50 + c * 5 + t) for t in range(5)] for c in range(5)]
    A_c = [bv(75 + c * 5 + 0) + bv(75 + c * 5 + 1) + bv(75 + c * 5 + 2)
           + bv(75 + c * 5 + 3) + bv(75 + c * 5 + 4) for c in range(5)]
    n_c = [sum(n_ct[c][1:], n_ct[c][0]) for c in range(5)]
    S_c = [sum(S_ct[c][1:], S_ct[c][0]) for c in range(5)]

    last_i = jnp.int32(1)
    a = [jnp.float32(0.0)] * 5
    for v in range(1, 5):
        present = n_c[v] > 0
        n_nz = ncc_ref[0, v - 1]
        n_uniq = n_nz + (n_c[v] < H * W).astype(jnp.int32)
        s_v = (n_nz * last_i).astype(jnp.float32)
        a = [(a[c] + (1.0 if c == v else 0.0)) + s_v for c in range(5)]
        last_i = last_i + jnp.where(present, n_uniq, 0)

    for t in range(1, 5):
        n = n_ct[0][t] + n_ct[1][t] + n_ct[2][t] + n_ct[3][t] + n_ct[4][t]
        k = (n - 1) // 2
        med = jnp.float32(jnp.inf)
        for c in range(5):
            cum = jnp.int32(0)
            for c2 in range(5):
                cum = cum + jnp.where(a[c2] <= a[c], n_ct[c2][t], 0)
            med = jnp.minimum(med, jnp.where(cum >= k + 1, a[c],
                                             jnp.float32(jnp.inf)))
        nM = jnp.float32(0.0)
        sumA = jnp.float32(0.0)
        sumB_Mt = jnp.float32(0.0)
        sumS_M = jnp.float32(0.0)
        sumS_Mt = jnp.float32(0.0)
        n_Mt = jnp.float32(0.0)
        sumB_t = jnp.float32(0.0)
        for c in range(5):
            match = a[c] == med
            nM = nM + jnp.where(match, n_c[c].astype(jnp.float32), 0.0)
            sumA = sumA + jnp.where(match, A_c[c], 0.0)
            sumB_Mt = sumB_Mt + jnp.where(match, B_ct[c][t], 0.0)
            sumS_M = sumS_M + jnp.where(match, S_c[c], 0.0)
            sumS_Mt = sumS_Mt + jnp.where(match, S_ct[c][t], 0.0)
            n_Mt = n_Mt + jnp.where(match, n_ct[c][t].astype(jnp.float32),
                                    0.0)
            sumB_t = sumB_t + B_ct[c][t]
        nf = n.astype(jnp.float32)
        bce = (sumA + (NPIX - nM) * LOG2 - sumB_Mt) / NPIX
        inter = sumS_Mt + 0.5 * (nf - n_Mt)
        sumP = sumS_M + 0.5 * (NPIX - nM)
        dice = 1.0 - (2.0 * inter + 1.0) / (sumP + nf + 1.0)
        extra = (sumB_t - sumB_Mt) / nf
        contrib = bce + dice + extra
        res = res + jnp.where(n > 0, contrib, 0.0)

    n_t_total = jnp.int32(0)
    for t in range(5):
        cnt_t = (n_ct[0][t] + n_ct[1][t] + n_ct[2][t] + n_ct[3][t]
                 + n_ct[4][t])
        n_t_total = n_t_total + (cnt_t > 0).astype(jnp.int32)

    o_ref[0, 0] = res / (n_t_total * 2 + 1).astype(jnp.float32)


@jax.jit
def _run(pred_out, target_mask):
    p = pred_out.reshape(5, H, W)
    tgt = target_mask.reshape(H, W)

    cls, ppo, gterm, s = pl.pallas_call(
        _prep_kernel,
        out_shape=(
            jax.ShapeDtypeStruct((H, W), jnp.int32),
            jax.ShapeDtypeStruct((H, W), jnp.float32),
            jax.ShapeDtypeStruct((H, W), jnp.float32),
            jax.ShapeDtypeStruct((1, 4), jnp.float32),
        ),
        in_specs=[
            pl.BlockSpec(memory_space=pltpu.VMEM),
            pl.BlockSpec(memory_space=pltpu.VMEM),
        ],
        out_specs=(
            pl.BlockSpec(memory_space=pltpu.VMEM),
            pl.BlockSpec(memory_space=pltpu.VMEM),
            pl.BlockSpec(memory_space=pltpu.VMEM),
            pl.BlockSpec(memory_space=pltpu.SMEM),
        ),
    )(p, tgt)

    bins = _sc_stats(cls, tgt, ppo, gterm)

    ncc = pl.pallas_call(
        _ccl_kernel,
        out_shape=jax.ShapeDtypeStruct((1, 4), jnp.int32),
        in_specs=[pl.BlockSpec(memory_space=pltpu.VMEM)],
        out_specs=pl.BlockSpec(memory_space=pltpu.SMEM),
    )(cls)

    out = pl.pallas_call(
        _final_kernel,
        out_shape=jax.ShapeDtypeStruct((1, 1), jnp.float32),
        in_specs=[
            pl.BlockSpec(memory_space=pltpu.VMEM),
            pl.BlockSpec(memory_space=pltpu.SMEM),
            pl.BlockSpec(memory_space=pltpu.SMEM),
        ],
        out_specs=pl.BlockSpec(memory_space=pltpu.SMEM),
    )(bins.reshape(NTILES * 16, NBINS), ncc, s)
    return out[0, 0]


def kernel(pred_out, target_mask):
    return _run(pred_out, target_mask)

# --- scband reference (transcript-rebuilt; emitter-appended) ---
"""Pipeline reference for scband-connected-loss-v6-83760452206651 (READ-ONLY COPY).

The authoritative reference and input builder live on the scoring server;
editing this copy changes nothing except your own understanding.
"""

import jax, jax.numpy as jnp
import numpy as np


def bce_dice_loss(pred, target):
    # BCEWithLogits + Dice (sigmoid), numerically stable; reduces to scalar.
    pred, target = jnp.broadcast_arrays(pred, target)
    bce = jnp.mean(jnp.maximum(pred, 0.0) - pred * target + jnp.log1p(jnp.exp(-jnp.abs(pred))))
    p = jax.nn.sigmoid(pred)
    inter = jnp.sum(p * target)
    dice = 1.0 - (2.0 * inter + 1.0) / (jnp.sum(p) + jnp.sum(target) + 1.0)
    return bce + dice


def connected_components(mask):
    # 4-connectivity label propagation to fixed point; labels are arbitrary
    # positive ints (per-component max of initial pixel index), 0 = background.
    B, H, W = mask.shape
    lab = jnp.where(mask, jnp.arange(1, B * H * W + 1, dtype=jnp.int32).reshape(B, H, W), 0)

    def step(lab):
        n1 = jnp.pad(lab, ((0, 0), (1, 0), (0, 0)))[:, :H, :]
        n2 = jnp.pad(lab, ((0, 0), (0, 1), (0, 0)))[:, 1:, :]
        n3 = jnp.pad(lab, ((0, 0), (0, 0), (1, 0)))[:, :, :W]
        n4 = jnp.pad(lab, ((0, 0), (0, 0), (0, 1)))[:, :, 1:]
        return jnp.where(mask, jnp.maximum(lab, jnp.maximum(jnp.maximum(n1, n2), jnp.maximum(n3, n4))), 0)

    def cond_fun(state):
        cur, prev = state
        return jnp.any(cur != prev)

    def body_fun(state):
        cur, _ = state
        return step(cur), cur

    lab_final, _ = jax.lax.while_loop(cond_fun, body_fun, (step(lab), lab))
    return lab_final


def _forward(pred_out, target_mask):
    pred_masks = jnp.argmax(pred_out, axis=1)          # [B, H, W]
    zero_mask = jnp.max(pred_masks, axis=1)            # [B, W]
    res_loss = bce_dice_loss((zero_mask == 0).astype(jnp.float32),
                             (target_mask == 0).astype(jnp.float32))
    num_classes = pred_out.shape[1]
    B, H, W = pred_masks.shape
    init_idx = jnp.arange(1, B * H * W + 1, dtype=jnp.int32).reshape(B, H, W)
    pred_placeholder = jnp.zeros(pred_masks.shape, jnp.float32)
    pred_placeholder_out = jnp.zeros(pred_masks.shape, jnp.float32)
    last_i = jnp.asarray(1, jnp.int32)
    for v in range(1, num_classes):
        cur_mask = pred_masks == v
        present = jnp.any(cur_mask)
        lab = connected_components(cur_mask)
        n_nz = jnp.sum(cur_mask & (lab == init_idx)).astype(jnp.int32)
        n_uniq = n_nz + jnp.any(~cur_mask).astype(jnp.int32)
        # Exact vectorization of the per-component inner loop:
        #   sum_c (c_mask + last_i) = union(c_masks) + n_nz * last_i  (c_masks disjoint)
        #   per-component overwrite of disjoint masks == single where on the union
        pred_placeholder = pred_placeholder + cur_mask.astype(jnp.float32) + (n_nz * last_i).astype(jnp.float32)
        pred_placeholder_out = jnp.where(cur_mask, pred_out[:, v], pred_placeholder_out)
        last_i = last_i + jnp.where(present, n_uniq, 0)
    for t in range(1, num_classes):
        target_m = (target_mask == t)[:, 0]            # [B, H, W]
        t_present = jnp.any(target_m)
        n = jnp.sum(target_m).astype(jnp.int32)
        masked_vals = jnp.where(target_m, pred_placeholder, jnp.inf)
        med = jnp.sort(masked_vals.ravel())[(n - 1) // 2]  # torch lower-median
        full_med_mask = (pred_placeholder == med).astype(jnp.float32)
        contrib = bce_dice_loss(pred_placeholder_out * full_med_mask,
                                target_m.astype(jnp.float32))
        extra_mask = (pred_placeholder != med).astype(jnp.float32) * target_m.astype(jnp.float32)
        contrib = contrib + jnp.sum(pred_placeholder_out * extra_mask) / jnp.sum(target_m).astype(jnp.float32)
        res_loss = res_loss + jnp.where(t_present, contrib, 0.0)
    n_t = jnp.asarray(0, jnp.int32)
    for t in range(num_classes):
        n_t = n_t + jnp.any(target_mask == t).astype(jnp.int32)
    return res_loss / (n_t * 2 + 1).astype(jnp.float32)


def setup_inputs(seed: int = 0) -> dict:
    key = jax.random.key(seed)
    k1, k2 = jax.random.split(key)
    pred_out = jax.random.normal(k1, (1, 5, 512, 512), dtype=jnp.float32)
    target_mask = jax.random.randint(k2, (1, 1, 512, 512), 0, 5, dtype=jnp.int32)
    return {"pred_out": pred_out, "target_mask": target_mask}


def reference(pred_out, target_mask):
    return _forward(pred_out, target_mask)

if __name__ == "__main__":
    import jax
    _d = setup_inputs()
    print(jax.jit(kernel)(*tuple(_d.values())))

</pallas_src>

<mosaic_0001>
#map = affine_map<(d0, d1) -> (0, 0)>
#map1 = affine_map<(d0, d1) -> (0, 0, 0)>
module attributes {stable_mosaic.version = 14 : i64} {
  func.func @stats_kernel(%arg0: i32, %arg1: i32, %arg2: memref<512x512xi32, #tpu.memory_space<hbm>>, %arg3: memref<512x512xi32, #tpu.memory_space<hbm>>, %arg4: memref<512x512xf32, #tpu.memory_space<hbm>>, %arg5: memref<512x512xf32, #tpu.memory_space<hbm>>, %arg6: memref<32x16x100xf32, #tpu.memory_space<hbm>>, %arg7: memref<16x512xi32, #tpu.memory_space<vmem>>, %arg8: memref<16x512xi32, #tpu.memory_space<vmem>>, %arg9: memref<16x512xf32, #tpu.memory_space<vmem>>, %arg10: memref<16x512xf32, #tpu.memory_space<vmem>>, %arg11: memref<16x100xf32, #tpu.memory_space<vmem>>) attributes {dimension_semantics = [#tpu.dimension_semantics<core_parallel>, #tpu.dimension_semantics<subcore_parallel>], iteration_bounds = array<i64: 2, 16>, scalar_prefetch = 0 : i64, scratch_operands = 5 : i64, tpu.core_type = #tpu.core_type<sc_vector_subcore>, window_params = [{transform_indices = #map}, {transform_indices = #map}, {transform_indices = #map}, {transform_indices = #map}, {transform_indices = #map1}]} {
    %mul3A = arith.constant 2 : i32
    %mul3A_0 = arith.muli %arg1, %mul3A : i32
    %add3A = arith.addi %mul3A_0, %arg0 : i32
    %mul3A_1 = arith.constant 16 : i32
    %mul3A_2 = arith.muli %add3A, %mul3A_1 : i32
    "tpu.region"() ({
      %run_scoped3A = tpu.sem_alloc : memref<!tpu.dma_semaphore, #tpu.memory_space<semaphore_mem>>
      %dma_start3A = arith.constant 0 : i32
      %dma_start3A_15 = tpu.memref_slice %arg2[%mul3A_2, %dma_start3A] : memref<512x512xi32, #tpu.memory_space<hbm>> -> memref<16x512xi32, #tpu.memory_space<hbm>>
      %dma_start3A_16 = arith.constant 0 : i32
      %dma_start3A_17 = tpu.memref_slice %arg2[%mul3A_2, %dma_start3A_16] : memref<512x512xi32, #tpu.memory_space<hbm>> -> memref<16x512xi32, #tpu.memory_space<hbm>>
      tpu.enqueue_dma source(%dma_start3A_17 : memref<16x512xi32, #tpu.memory_space<hbm>>) target(%arg7 : memref<16x512xi32, #tpu.memory_space<vmem>>) target_semaphore(%run_scoped3A : memref<!tpu.dma_semaphore, #tpu.memory_space<semaphore_mem>>)
      %dma_wait3A = arith.constant 0 : i32
      %dma_wait3A_18 = tpu.memref_slice %arg2[%mul3A_2, %dma_wait3A] : memref<512x512xi32, #tpu.memory_space<hbm>> -> memref<16x512xi32, #tpu.memory_space<hbm>>
      %dma_wait3A_19 = arith.constant 0 : i32
      %dma_wait3A_20 = tpu.memref_slice %arg2[%mul3A_2, %dma_wait3A_19] : memref<512x512xi32, #tpu.memory_space<hbm>> -> memref<16x512xi32, #tpu.memory_space<hbm>>
      tpu.wait_dma2 semaphore(%run_scoped3A : memref<!tpu.dma_semaphore, #tpu.memory_space<semaphore_mem>>) src(%dma_wait3A_20 : memref<16x512xi32, #tpu.memory_space<hbm>>) dst(%arg7 : memref<16x512xi32, #tpu.memory_space<vmem>>)
      tpu.yield
    }) : () -> ()
    "tpu.region"() ({
      %run_scoped3A = tpu.sem_alloc : memref<!tpu.dma_semaphore, #tpu.memory_space<semaphore_mem>>
      %dma_start3A = arith.constant 0 : i32
      %dma_start3A_15 = tpu.memref_slice %arg3[%mul3A_2, %dma_start3A] : memref<512x512xi32, #tpu.memory_space<hbm>> -> memref<16x512xi32, #tpu.memory_space<hbm>>
      %dma_start3A_16 = arith.constant 0 : i32
      %dma_start3A_17 = tpu.memref_slice %arg3[%mul3A_2, %dma_start3A_16] : memref<512x512xi32, #tpu.memory_space<hbm>> -> memref<16x512xi32, #tpu.memory_space<hbm>>
      tpu.enqueue_dma source(%dma_start3A_17 : memref<16x512xi32, #tpu.memory_space<hbm>>) target(%arg8 : memref<16x512xi32, #tpu.memory_space<vmem>>) target_semaphore(%run_scoped3A : memref<!tpu.dma_semaphore, #tpu.memory_space<semaphore_mem>>)
      %dma_wait3A = arith.constant 0 : i32
      %dma_wait3A_18 = tpu.memref_slice %arg3[%mul3A_2, %dma_wait3A] : memref<512x512xi32, #tpu.memory_space<hbm>> -> memref<16x512xi32, #tpu.memory_space<hbm>>
      %dma_wait3A_19 = arith.constant 0 : i32
      %dma_wait3A_20 = tpu.memref_slice %arg3[%mul3A_2, %dma_wait3A_19] : memref<512x512xi32, #tpu.memory_space<hbm>> -> memref<16x512xi32, #tpu.memory_space<hbm>>
      tpu.wait_dma2 semaphore(%run_scoped3A : memref<!tpu.dma_semaphore, #tpu.memory_space<semaphore_mem>>) src(%dma_wait3A_20 : memref<16x512xi32, #tpu.memory_space<hbm>>) dst(%arg8 : memref<16x512xi32, #tpu.memory_space<vmem>>)
      tpu.yield
    }) : () -> ()
    "tpu.region"() ({
      %run_scoped3A = tpu.sem_alloc : memref<!tpu.dma_semaphore, #tpu.memory_space<semaphore_mem>>
      %dma_start3A = arith.constant 0 : i32
      %dma_start3A_15 = tpu.memref_slice %arg4[%mul3A_2, %dma_start3A] : memref<512x512xf32, #tpu.memory_space<hbm>> -> memref<16x512xf32, #tpu.memory_space<hbm>>
      %dma_start3A_16 = arith.constant 0 : i32
      %dma_start3A_17 = tpu.memref_slice %arg4[%mul3A_2, %dma_start3A_16] : memref<512x512xf32, #tpu.memory_space<hbm>> -> memref<16x512xf32, #tpu.memory_space<hbm>>
      tpu.enqueue_dma source(%dma_start3A_17 : memref<16x512xf32, #tpu.memory_space<hbm>>) target(%arg9 : memref<16x512xf32, #tpu.memory_space<vmem>>) target_semaphore(%run_scoped3A : memref<!tpu.dma_semaphore, #tpu.memory_space<semaphore_mem>>)
      %dma_wait3A = arith.constant 0 : i32
      %dma_wait3A_18 = tpu.memref_slice %arg4[%mul3A_2, %dma_wait3A] : memref<512x512xf32, #tpu.memory_space<hbm>> -> memref<16x512xf32, #tpu.memory_space<hbm>>
      %dma_wait3A_19 = arith.constant 0 : i32
      %dma_wait3A_20 = tpu.memref_slice %arg4[%mul3A_2, %dma_wait3A_19] : memref<512x512xf32, #tpu.memory_space<hbm>> -> memref<16x512xf32, #tpu.memory_space<hbm>>
      tpu.wait_dma2 semaphore(%run_scoped3A : memref<!tpu.dma_semaphore, #tpu.memory_space<semaphore_mem>>) src(%dma_wait3A_20 : memref<16x512xf32, #tpu.memory_space<hbm>>) dst(%arg9 : memref<16x512xf32, #tpu.memory_space<vmem>>)
      tpu.yield
    }) : () -> ()
    "tpu.region"() ({
      %run_scoped3A = tpu.sem_alloc : memref<!tpu.dma_semaphore, #tpu.memory_space<semaphore_mem>>
      %dma_start3A = arith.constant 0 : i32
      %dma_start3A_15 = tpu.memref_slice %arg5[%mul3A_2, %dma_start3A] : memref<512x512xf32, #tpu.memory_space<hbm>> -> memref<16x512xf32, #tpu.memory_space<hbm>>
      %dma_start3A_16 = arith.constant 0 : i32
      %dma_start3A_17 = tpu.memref_slice %arg5[%mul3A_2, %dma_start3A_16] : memref<512x512xf32, #tpu.memory_space<hbm>> -> memref<16x512xf32, #tpu.memory_space<hbm>>
      tpu.enqueue_dma source(%dma_start3A_17 : memref<16x512xf32, #tpu.memory_space<hbm>>) target(%arg10 : memref<16x512xf32, #tpu.memory_space<vmem>>) target_semaphore(%run_scoped3A : memref<!tpu.dma_semaphore, #tpu.memory_space<semaphore_mem>>)
      %dma_wait3A = arith.constant 0 : i32
      %dma_wait3A_18 = tpu.memref_slice %arg5[%mul3A_2, %dma_wait3A] : memref<512x512xf32, #tpu.memory_space<hbm>> -> memref<16x512xf32, #tpu.memory_space<hbm>>
      %dma_wait3A_19 = arith.constant 0 : i32
      %dma_wait3A_20 = tpu.memref_slice %arg5[%mul3A_2, %dma_wait3A_19] : memref<512x512xf32, #tpu.memory_space<hbm>> -> memref<16x512xf32, #tpu.memory_space<hbm>>
      tpu.wait_dma2 semaphore(%run_scoped3A : memref<!tpu.dma_semaphore, #tpu.memory_space<semaphore_mem>>) src(%dma_wait3A_20 : memref<16x512xf32, #tpu.memory_space<hbm>>) dst(%arg10 : memref<16x512xf32, #tpu.memory_space<vmem>>)
      tpu.yield
    }) : () -> ()
    %broadcast_in_dim3A = arith.constant 0.000000e+00 : f32
    %broadcast_in_dim3A_3 = vector.broadcast %broadcast_in_dim3A : f32 to vector<16xf32>
    %broadcast_in_dim3A_4 = arith.constant 1.000000e+00 : f32
    %broadcast_in_dim3A_5 = vector.broadcast %broadcast_in_dim3A_4 : f32 to vector<16xf32>
    %iota3A = tpu.iota {dimensions = array<i32: 0>} : vector<16xi32>
    %scan3A = arith.constant 0 : i32
    %scan3A_6 = arith.constant 16 : i32
    %scan3A_7 = arith.addi %scan3A, %scan3A_6 : i32
    %scan3A_8 = arith.constant 1 : i32
    scf.for %scan3A_15 = %scan3A to %scan3A_7 step %scan3A_8  : i32 {
      %mul3A_16 = arith.constant 1 : i32
      %mul3A_17 = arith.muli %scan3A_15, %mul3A_16 : i32
      %add3A_18 = arith.constant 0 : i32
      %add3A_19 = arith.addi %add3A_18, %mul3A_17 : i32
      %scan3A_20 = arith.constant 0 : i32
      %scan3A_21 = arith.constant 7 : i32
      %scan3A_22 = arith.addi %scan3A_20, %scan3A_21 : i32
      %scan3A_23 = arith.constant 1 : i32
      scf.for %scan3A_25 = %scan3A_20 to %scan3A_22 step %scan3A_23  : i32 {
        %mul3A_26 = arith.constant 16 : i32
        %mul3A_27 = arith.muli %scan3A_25, %mul3A_26 : i32
        %add3A_28 = arith.constant 0 : i32
        %add3A_29 = arith.addi %add3A_28, %mul3A_27 : i32
        %swap3A = arith.index_cast %add3A_19 : i32 to index
        %swap3A_30 = arith.index_cast %add3A_29 : i32 to index
        %swap3A_31 = tpu.vector_load %arg11[%swap3A, %swap3A_30] {strides = array<i32>} : memref<16x100xf32, #tpu.memory_space<vmem>>, vector<16xf32>,
        tpu.vector_store %arg11[%swap3A, %swap3A_30], %broadcast_in_dim3A_3 {strides = array<i32>} : memref<16x100xf32, #tpu.memory_space<vmem>>, vector<16xf32>,
      }
      %scan3A_24 = arith.constant 7 : i32
    }
    %scan3A_9 = arith.constant 16 : i32
    %scan3A_10 = arith.constant 0 : i32
    %scan3A_11 = arith.constant 16 : i32
    %scan3A_12 = arith.addi %scan3A_10, %scan3A_11 : i32
    %scan3A_13 = arith.constant 1 : i32
    scf.for %scan3A_15 = %scan3A_10 to %scan3A_12 step %scan3A_13  : i32 {
      %mul3A_16 = arith.constant 1 : i32
      %mul3A_17 = arith.muli %scan3A_15, %mul3A_16 : i32
      %add3A_18 = arith.constant 0 : i32
      %add3A_19 = arith.addi %add3A_18, %mul3A_17 : i32
      %scan3A_20 = arith.constant 0 : i32
      %scan3A_21 = arith.constant 32 : i32
      %scan3A_22 = arith.addi %scan3A_20, %scan3A_21 : i32
      %scan3A_23 = arith.constant 1 : i32
      scf.for %scan3A_25 = %scan3A_20 to %scan3A_22 step %scan3A_23  : i32 {
        %mul3A_26 = arith.constant 16 : i32
        %mul3A_27 = arith.muli %scan3A_25, %mul3A_26 : i32
        %add3A_28 = arith.constant 0 : i32
        %add3A_29 = arith.addi %add3A_28, %mul3A_27 : i32
        %get3A = arith.index_cast %add3A_19 : i32 to index
        %get3A_30 = arith.index_cast %add3A_29 : i32 to index
        %get3A_31 = tpu.vector_load %arg7[%get3A, %get3A_30] {strides = array<i32>} : memref<16x512xi32, #tpu.memory_space<vmem>>, vector<16xi32>,
        %get3A_32 = arith.index_cast %add3A_19 : i32 to index
        %get3A_33 = arith.index_cast %add3A_29 : i32 to index
        %get3A_34 = tpu.vector_load %arg8[%get3A_32, %get3A_33] {strides = array<i32>} : memref<16x512xi32, #tpu.memory_space<vmem>>, vector<16xi32>,
        %get3A_35 = arith.index_cast %add3A_19 : i32 to index
        %get3A_36 = arith.index_cast %add3A_29 : i32 to index
        %get3A_37 = tpu.vector_load %arg9[%get3A_35, %get3A_36] {strides = array<i32>} : memref<16x512xf32, #tpu.memory_space<vmem>>, vector<16xf32>,
        %get3A_38 = arith.index_cast %add3A_19 : i32 to index
        %get3A_39 = arith.index_cast %add3A_29 : i32 to index
        %get3A_40 = tpu.vector_load %arg10[%get3A_38, %get3A_39] {strides = array<i32>} : memref<16x512xf32, #tpu.memory_space<vmem>>, vector<16xf32>,
        %mul3A_41 = arith.constant 5 : i32
        %mul3A_42 = vector.broadcast %mul3A_41 : i32 to vector<16xi32>
        %mul3A_43 = arith.muli %get3A_31, %mul3A_42 : vector<16xi32>
        %add3A_44 = arith.addi %mul3A_43, %get3A_34 : vector<16xi32>
        %neg3A = arith.constant 0.000000e+00 : f32
        %neg3A_45 = vector.broadcast %neg3A : f32 to vector<16xf32>
        %neg3A_46 = arith.subf %neg3A_45, %get3A_37 : vector<16xf32>
        %exp3A = math.exp %neg3A_46 : vector<16xf32>
        %add3A_47 = arith.addf %broadcast_in_dim3A_5, %exp3A : vector<16xf32>
        %div3A = arith.divf %broadcast_in_dim3A_5, %add3A_47 : vector<16xf32>
        tpu.vector_store_idx %arg11[%iota3A, %add3A_44], %broadcast_in_dim3A_5 {add = true} : memref<16x100xf32, #tpu.memory_space<vmem>>[vector<16xi32>, vector<16xi32>], vector<16xf32>,
        %add3A_48 = arith.constant 25 : i32
        %add3A_49 = vector.broadcast %add3A_48 : i32 to vector<16xi32>
        %add3A_50 = arith.addi %add3A_44, %add3A_49 : vector<16xi32>
        tpu.vector_store_idx %arg11[%iota3A, %add3A_50], %get3A_37 {add = true} : memref<16x100xf32, #tpu.memory_space<vmem>>[vector<16xi32>, vector<16xi32>], vector<16xf32>,
        %add3A_51 = arith.constant 50 : i32
        %add3A_52 = vector.broadcast %add3A_51 : i32 to vector<16xi32>
        %add3A_53 = arith.addi %add3A_44, %add3A_52 : vector<16xi32>
        tpu.vector_store_idx %arg11[%iota3A, %add3A_53], %div3A {add = true} : memref<16x100xf32, #tpu.memory_space<vmem>>[vector<16xi32>, vector<16xi32>], vector<16xf32>,
        %add3A_54 = arith.constant 75 : i32
        %add3A_55 = vector.broadcast %add3A_54 : i32 to vector<16xi32>
        %add3A_56 = arith.addi %add3A_44, %add3A_55 : vector<16xi32>
        tpu.vector_store_idx %arg11[%iota3A, %add3A_56], %get3A_40 {add = true} : memref<16x100xf32, #tpu.memory_space<vmem>>[vector<16xi32>, vector<16xi32>], vector<16xf32>,
      }
      %scan3A_24 = arith.constant 32 : i32
    }
    %scan3A_14 = arith.constant 16 : i32
    "tpu.region"() ({
      %run_scoped3A = tpu.sem_alloc : memref<!tpu.dma_semaphore, #tpu.memory_space<semaphore_mem>>
      %dma_start3A = arith.constant 0 : i32
      %dma_start3A_15 = arith.constant 0 : i32
      %dma_start3A_16 = tpu.memref_slice %arg6[%add3A, %dma_start3A, %dma_start3A_15] : memref<32x16x100xf32, #tpu.memory_space<hbm>> -> memref<1x16x100xf32, #tpu.memory_space<hbm>>
      %dma_start3A_17 = tpu.memref_squeeze %dma_start3A_16 : memref<1x16x100xf32, #tpu.memory_space<hbm>> -> memref<16x100xf32, #tpu.memory_space<hbm>>
      %dma_start3A_18 = arith.constant 0 : i32
      %dma_start3A_19 = arith.constant 0 : i32
      %dma_start3A_20 = tpu.memref_slice %arg6[%add3A, %dma_start3A_18, %dma_start3A_19] : memref<32x16x100xf32, #tpu.memory_space<hbm>> -> memref<1x16x100xf32, #tpu.memory_space<hbm>>
      %dma_start3A_21 = tpu.memref_squeeze %dma_start3A_20 : memref<1x16x100xf32, #tpu.memory_space<hbm>> -> memref<16x100xf32, #tpu.memory_space<hbm>>
      tpu.enqueue_dma source(%arg11 : memref<16x100xf32, #tpu.memory_space<vmem>>) target(%dma_start3A_21 : memref<16x100xf32, #tpu.memory_space<hbm>>) target_semaphore(%run_scoped3A : memref<!tpu.dma_semaphore, #tpu.memory_space<semaphore_mem>>)
      %dma_wait3A = arith.constant 0 : i32
      %dma_wait3A_22 = arith.constant 0 : i32
      %dma_wait3A_23 = tpu.memref_slice %arg6[%add3A, %dma_wait3A, %dma_wait3A_22] : memref<32x16x100xf32, #tpu.memory_space<hbm>> -> memref<1x16x100xf32, #tpu.memory_space<hbm>>
      %dma_wait3A_24 = tpu.memref_squeeze %dma_wait3A_23 : memref<1x16x100xf32, #tpu.memory_space<hbm>> -> memref<16x100xf32, #tpu.memory_space<hbm>>
      %dma_wait3A_25 = arith.constant 0 : i32
      %dma_wait3A_26 = arith.constant 0 : i32
      %dma_wait3A_27 = tpu.memref_slice %arg6[%add3A, %dma_wait3A_25, %dma_wait3A_26] : memref<32x16x100xf32, #tpu.memory_space<hbm>> -> memref<1x16x100xf32, #tpu.memory_space<hbm>>
      %dma_wait3A_28 = tpu.memref_squeeze %dma_wait3A_27 : memref<1x16x100xf32, #tpu.memory_space<hbm>> -> memref<16x100xf32, #tpu.memory_space<hbm>>
      tpu.wait_dma2 semaphore(%run_scoped3A : memref<!tpu.dma_semaphore, #tpu.memory_space<semaphore_mem>>) src(%arg11 : memref<16x100xf32, #tpu.memory_space<vmem>>) dst(%dma_wait3A_28 : memref<16x100xf32, #tpu.memory_space<hbm>>)
      tpu.yield
    }) : () -> ()
    return
  }
}

module attributes {stable_mosaic.version = 14 : i64} {
  func.func @_final_kernel(%arg0: memref<512x100xf32, #tpu.memory_space<vmem>>, %arg1: memref<1x4xi32, #tpu.memory_space<smem>>, %arg2: memref<1x4xf32, #tpu.memory_space<smem>>, %arg3: memref<1x1xf32, #tpu.memory_space<smem>>) attributes {dimension_semantics = [], scalar_prefetch = 0 : i64, scratch_operands = 0 : i64, tpu.core_type = #tpu.core_type<tc>} {
    %get3A = arith.constant 0 : index
    %get3A_0 = arith.constant 0 : index
    %get3A_1 = vector.load %arg0[%get3A, %get3A_0] : memref<512x100xf32, #tpu.memory_space<vmem>>, vector<512x100xf32>
    %reduce_sum3A = arith.constant dense<0.000000e+00> : vector<100xf32>
    %reduce_sum3A_2 = vector.multi_reduction <add>, %get3A_1, %reduce_sum3A [0] : vector<512x100xf32> to vector<100xf32>
    %broadcast_in_dim3A = vector.shape_cast %reduce_sum3A_2 : vector<100xf32> to vector<1x100xf32>
    %get3A_3 = arith.constant 0 : index
    %get3A_4 = arith.constant 0 : index
    %get3A_5 = memref.load %arg2[%get3A_3, %get3A_4] : memref<1x4xf32, #tpu.memory_space<smem>>
    %get3A_6 = arith.constant 0 : index
    %get3A_7 = arith.constant 1 : index
    %get3A_8 = memref.load %arg2[%get3A_6, %get3A_7] : memref<1x4xf32, #tpu.memory_space<smem>>
    %get3A_9 = arith.constant 0 : index
    %get3A_10 = arith.constant 2 : index
    %get3A_11 = memref.load %arg2[%get3A_9, %get3A_10] : memref<1x4xf32, #tpu.memory_space<smem>>
    %mul3A = arith.constant 5.120000e+02 : f32
    %mul3A_12 = arith.mulf %mul3A, %get3A_5 : f32
    %sub3A = arith.constant 2.621440e+05 : f32
    %sub3A_13 = arith.subf %sub3A, %mul3A_12 : f32
    %mul3A_14 = arith.constant 0.693147182 : f32
    %mul3A_15 = arith.mulf %sub3A_13, %mul3A_14 : f32
    %mul3A_16 = arith.constant 5.120000e+02 : f32
    %mul3A_17 = arith.mulf %mul3A_16, %get3A_5 : f32
    %mul3A_18 = arith.constant 1.31326163 : f32
    %mul3A_19 = arith.mulf %mul3A_17, %mul3A_18 : f32
    %add3A = arith.addf %mul3A_15, %mul3A_19 : f32
    %sub3A_20 = arith.subf %add3A, %get3A_8 : f32
    %div3A = arith.constant 2.621440e+05 : f32
    %div3A_21 = arith.divf %sub3A_20, %div3A : f32
    %mul3A_22 = arith.constant 0.731058597 : f32
    %mul3A_23 = arith.mulf %mul3A_22, %get3A_8 : f32
    %sub3A_24 = arith.subf %get3A_11, %get3A_8 : f32
    %mul3A_25 = arith.constant 5.000000e-01 : f32
    %mul3A_26 = arith.mulf %mul3A_25, %sub3A_24 : f32
    %add3A_27 = arith.addf %mul3A_23, %mul3A_26 : f32
    %mul3A_28 = arith.constant 3.743020e+02 : f32
    %mul3A_29 = arith.mulf %mul3A_28, %get3A_5 : f32
    %mul3A_30 = arith.constant 5.120000e+02 : f32
    %mul3A_31 = arith.mulf %mul3A_30, %get3A_5 : f32
    %sub3A_32 = arith.constant 2.621440e+05 : f32
    %sub3A_33 = arith.subf %sub3A_32, %mul3A_31 : f32
    %mul3A_34 = arith.constant 5.000000e-01 : f32
    %mul3A_35 = arith.mulf %mul3A_34, %sub3A_33 : f32
    %add3A_36 = arith.addf %mul3A_29, %mul3A_35 : f32
    %mul3A_37 = arith.constant 2.000000e+00 : f32
    %mul3A_38 = arith.mulf %mul3A_37, %add3A_27 : f32
    %add3A_39 = arith.constant 1.000000e+00 : f32
    %add3A_40 = arith.addf %mul3A_38, %add3A_39 : f32
    %add3A_41 = arith.addf %add3A_36, %get3A_11 : f32
    %add3A_42 = arith.constant 1.000000e+00 : f32
    %add3A_43 = arith.addf %add3A_41, %add3A_42 : f32
    %div3A_44 = arith.divf %add3A_40, %add3A_43 : f32
    %sub3A_45 = arith.constant 1.000000e+00 : f32
    %sub3A_46 = arith.subf %sub3A_45, %div3A_44 : f32
    %add3A_47 = arith.addf %div3A_21, %sub3A_46 : f32
    %slice3A = vector.extract_strided_slice %broadcast_in_dim3A {offsets = [0, 0], sizes = [1, 1], strides = [1, 1]} : vector<1x100xf32> to vector<1x1xf32>
    %squeeze3A = vector.extract %slice3A[0, 0] : f32 from vector<1x1xf32>
    %convert_element_type3A = arith.fptosi %squeeze3A : f32 to i32
    %slice3A_48 = vector.extract_strided_slice %broadcast_in_dim3A {offsets = [0, 1], sizes = [1, 1], strides = [1, 1]} : vector<1x100xf32> to vector<1x1xf32>
    %squeeze3A_49 = vector.extract %slice3A_48[0, 0] : f32 from vector<1x1xf32>
    %convert_element_type3A_50 = arith.fptosi %squeeze3A_49 : f32 to i32
    %slice3A_51 = vector.extract_strided_slice %broadcast_in_dim3A {offsets = [0, 2], sizes = [1, 1], strides = [1, 1]} : vector<1x100xf32> to vector<1x1xf32>
    %squeeze3A_52 = vector.extract %slice3A_51[0, 0] : f32 from vector<1x1xf32>
    %convert_element_type3A_53 = arith.fptosi %squeeze3A_52 : f32 to i32
    %slice3A_54 = vector.extract_strided_slice %broadcast_in_dim3A {offsets = [0, 3], sizes = [1, 1], strides = [1, 1]} : vector<1x100xf32> to vector<1x1xf32>
    %squeeze3A_55 = vector.extract %slice3A_54[0, 0] : f32 from vector<1x1xf32>
    %convert_element_type3A_56 = arith.fptosi %squeeze3A_55 : f32 to i32
    %slice3A_57 = vector.extract_strided_slice %broadcast_in_dim3A {offsets = [0, 4], sizes = [1, 1], strides = [1, 1]} : vector<1x100xf32> to vector<1x1xf32>
    %squeeze3A_58 = vector.extract %slice3A_57[0, 0] : f32 from vector<1x1xf32>
    %convert_element_type3A_59 = arith.fptosi %squeeze3A_58 : f32 to i32
    %slice3A_60 = vector.extract_strided_slice %broadcast_in_dim3A {offsets = [0, 5], sizes = [1, 1], strides = [1, 1]} : vector<1x100xf32> to vector<1x1xf32>
    %squeeze3A_61 = vector.extract %slice3A_60[0, 0] : f32 from vector<1x1xf32>
    %convert_element_type3A_62 = arith.fptosi %squeeze3A_61 : f32 to i32
    %slice3A_63 = vector.extract_strided_slice %broadcast_in_dim3A {offsets = [0, 6], sizes = [1, 1], strides = [1, 1]} : vector<1x100xf32> to vector<1x1xf32>
    %squeeze3A_64 = vector.extract %slice3A_63[0, 0] : f32 from vector<1x1xf32>
    %convert_element_type3A_65 = arith.fptosi %squeeze3A_64 : f32 to i32
    %slice3A_66 = vector.extract_strided_slice %broadcast_in_dim3A {offsets = [0, 7], sizes = [1, 1], strides = [1, 1]} : vector<1x100xf32> to vector<1x1xf32>
    %squeeze3A_67 = vector.extract %slice3A_66[0, 0] : f32 from vector<1x1xf32>
    %convert_element_type3A_68 = arith.fptosi %squeeze3A_67 : f32 to i32
    %slice3A_69 = vector.extract_strided_slice %broadcast_in_dim3A {offsets = [0, 8], sizes = [1, 1], strides = [1, 1]} : vector<1x100xf32> to vector<1x1xf32>
    %squeeze3A_70 = vector.extract %slice3A_69[0, 0] : f32 from vector<1x1xf32>
    %convert_element_type3A_71 = arith.fptosi %squeeze3A_70 : f32 to i32
    %slice3A_72 = vector.extract_strided_slice %broadcast_in_dim3A {offsets = [0, 9], sizes = [1, 1], strides = [1, 1]} : vector<1x100xf32> to vector<1x1xf32>
    %squeeze3A_73 = vector.extract %slice3A_72[0, 0] : f32 from vector<1x1xf32>
    %convert_element_type3A_74 = arith.fptosi %squeeze3A_73 : f32 to i32
    %slice3A_75 = vector.extract_strided_slice %broadcast_in_dim3A {offsets = [0, 10], sizes = [1, 1], strides = [1, 1]} : vector<1x100xf32> to vector<1x1xf32>
    %squeeze3A_76 = vector.extract %slice3A_75[0, 0] : f32 from vector<1x1xf32>
    %convert_element_type3A_77 = arith.fptosi %squeeze3A_76 : f32 to i32
    %slice3A_78 = vector.extract_strided_slice %broadcast_in_dim3A {offsets = [0, 11], sizes = [1, 1], strides = [1, 1]} : vector<1x100xf32> to vector<1x1xf32>
    %squeeze3A_79 = vector.extract %slice3A_78[0, 0] : f32 from vector<1x1xf32>
    %convert_element_type3A_80 = arith.fptosi %squeeze3A_79 : f32 to i32
    %slice3A_81 = vector.extract_strided_slice %broadcast_in_dim3A {offsets = [0, 12], sizes = [1, 1], strides = [1, 1]} : vector<1x100xf32> to vector<1x1xf32>
    %squeeze3A_82 = vector.extract %slice3A_81[0, 0] : f32 from vector<1x1xf32>
    %convert_element_type3A_83 = arith.fptosi %squeeze3A_82 : f32 to i32
    %slice3A_84 = vector.extract_strided_slice %broadcast_in_dim3A {offsets = [0, 13], sizes = [1, 1], strides = [1, 1]} : vector<1x100xf32> to vector<1x1xf32>
    %squeeze3A_85 = vector.extract %slice3A_84[0, 0] : f32 from vector<1x1xf32>
    %convert_element_type3A_86 = arith.fptosi %squeeze3A_85 : f32 to i32
    %slice3A_87 = vector.extract_strided_slice %broadcast_in_dim3A {offsets = [0, 14], sizes = [1, 1], strides = [1, 1]} : vector<1x100xf32> to vector<1x1xf32>
    %squeeze3A_88 = vector.extract %slice3A_87[0, 0] : f32 from vector<1x1xf32>
    %convert_element_type3A_89 = arith.fptosi %squeeze3A_88 : f32 to i32
    %slice3A_90 = vector.extract_strided_slice %broadcast_in_dim3A {offsets = [0, 15], sizes = [1, 1], strides = [1, 1]} : vector<1x100xf32> to vector<1x1xf32>
    %squeeze3A_91 = vector.extract %slice3A_90[0, 0] : f32 from vector<1x1xf32>
    %convert_element_type3A_92 = arith.fptosi %squeeze3A_91 : f32 to i32
    %slice3A_93 = vector.extract_strided_slice %broadcast_in_dim3A {offsets = [0, 16], sizes = [1, 1], strides = [1, 1]} : vector<1x100xf32> to vector<1x1xf32>
    %squeeze3A_94 = vector.extract %slice3A_93[0, 0] : f32 from vector<1x1xf32>
    %convert_element_type3A_95 = arith.fptosi %squeeze3A_94 : f32 to i32
    %slice3A_96 = vector.extract_strided_slice %broadcast_in_dim3A {offsets = [0, 17], sizes = [1, 1], strides = [1, 1]} : vector<1x100xf32> to vector<1x1xf32>
    %squeeze3A_97 = vector.extract %slice3A_96[0, 0] : f32 from vector<1x1xf32>
    %convert_element_type3A_98 = arith.fptosi %squeeze3A_97 : f32 to i32
    %slice3A_99 = vector.extract_strided_slice %broadcast_in_dim3A {offsets = [0, 18], sizes = [1, 1], strides = [1, 1]} : vector<1x100xf32> to vector<1x1xf32>
    %squeeze3A_100 = vector.extract %slice3A_99[0, 0] : f32 from vector<1x1xf32>
    %convert_element_type3A_101 = arith.fptosi %squeeze3A_100 : f32 to i32
    %slice3A_102 = vector.extract_strided_slice %broadcast_in_dim3A {offsets = [0, 19], sizes = [1, 1], strides = [1, 1]} : vector<1x100xf32> to vector<1x1xf32>
    %squeeze3A_103 = vector.extract %slice3A_102[0, 0] : f32 from vector<1x1xf32>
    %convert_element_type3A_104 = arith.fptosi %squeeze3A_103 : f32 to i32
    %slice3A_105 = vector.extract_strided_slice %broadcast_in_dim3A {offsets = [0, 20], sizes = [1, 1], strides = [1, 1]} : vector<1x100xf32> to vector<1x1xf32>
    %squeeze3A_106 = vector.extract %slice3A_105[0, 0] : f32 from vector<1x1xf32>
    %convert_element_type3A_107 = arith.fptosi %squeeze3A_106 : f32 to i32
    %slice3A_108 = vector.extract_strided_slice %broadcast_in_dim3A {offsets = [0, 21], sizes = [1, 1], strides = [1, 1]} : vector<1x100xf32> to vector<1x1xf32>
    %squeeze3A_109 = vector.extract %slice3A_108[0, 0] : f32 from vector<1x1xf32>
    %convert_element_type3A_110 = arith.fptosi %squeeze3A_109 : f32 to i32
    %slice3A_111 = vector.extract_strided_slice %broadcast_in_dim3A {offsets = [0, 22], sizes = [1, 1], strides = [1, 1]} : vector<1x100xf32> to vector<1x1xf32>
    %squeeze3A_112 = vector.extract %slice3A_111[0, 0] : f32 from vector<1x1xf32>
    %convert_element_type3A_113 = arith.fptosi %squeeze3A_112 : f32 to i32
    %slice3A_114 = vector.extract_strided_slice %broadcast_in_dim3A {offsets = [0, 23], sizes = [1, 1], strides = [1, 1]} : vector<1x100xf32> to vector<1x1xf32>
    %squeeze3A_115 = vector.extract %slice3A_114[0, 0] : f32 from vector<1x1xf32>
    %convert_element_type3A_116 = arith.fptosi %squeeze3A_115 : f32 to i32
    %slice3A_117 = vector.extract_strided_slice %broadcast_in_dim3A {offsets = [0, 24], sizes = [1, 1], strides = [1, 1]} : vector<1x100xf32> to vector<1x1xf32>
    %squeeze3A_118 = vector.extract %slice3A_117[0, 0] : f32 from vector<1x1xf32>
    %convert_element_type3A_119 = arith.fptosi %squeeze3A_118 : f32 to i32
    %slice3A_120 = vector.extract_strided_slice %broadcast_in_dim3A {offsets = [0, 26], sizes = [1, 1], strides = [1, 1]} : vector<1x100xf32> to vector<1x1xf32>
    %squeeze3A_121 = vector.extract %slice3A_120[0, 0] : f32 from vector<1x1xf32>
    %slice3A_122 = vector.extract_strided_slice %broadcast_in_dim3A {offsets = [0, 27], sizes = [1, 1], strides = [1, 1]} : vector<1x100xf32> to vector<1x1xf32>
    %squeeze3A_123 = vector.extract %slice3A_122[0, 0] : f32 from vector<1x1xf32>
    %slice3A_124 = vector.extract_strided_slice %broadcast_in_dim3A {offsets = [0, 28], sizes = [1, 1], strides = [1, 1]} : vector<1x100xf32> to vector<1x1xf32>
    %squeeze3A_125 = vector.extract %slice3A_124[0, 0] : f32 from vector<1x1xf32>
    %slice3A_126 = vector.extract_strided_slice %broadcast_in_dim3A {offsets = [0, 29], sizes = [1, 1], strides = [1, 1]} : vector<1x100xf32> to vector<1x1xf32>
    %squeeze3A_127 = vector.extract %slice3A_126[0, 0] : f32 from vector<1x1xf32>
    %slice3A_128 = vector.extract_strided_slice %broadcast_in_dim3A {offsets = [0, 31], sizes = [1, 1], strides = [1, 1]} : vector<1x100xf32> to vector<1x1xf32>
    %squeeze3A_129 = vector.extract %slice3A_128[0, 0] : f32 from vector<1x1xf32>
    %slice3A_130 = vector.extract_strided_slice %broadcast_in_dim3A {offsets = [0, 32], sizes = [1, 1], strides = [1, 1]} : vector<1x100xf32> to vector<1x1xf32>
    %squeeze3A_131 = vector.extract %slice3A_130[0, 0] : f32 from vector<1x1xf32>
    %slice3A_132 = vector.extract_strided_slice %broadcast_in_dim3A {offsets = [0, 33], sizes = [1, 1], strides = [1, 1]} : vector<1x100xf32> to vector<1x1xf32>
    %squeeze3A_133 = vector.extract %slice3A_132[0, 0] : f32 from vector<1x1xf32>
    %slice3A_134 = vector.extract_strided_slice %broadcast_in_dim3A {offsets = [0, 34], sizes = [1, 1], strides = [1, 1]} : vector<1x100xf32> to vector<1x1xf32>
    %squeeze3A_135 = vector.extract %slice3A_134[0, 0] : f32 from vector<1x1xf32>
    %slice3A_136 = vector.extract_strided_slice %broadcast_in_dim3A {offsets = [0, 36], sizes = [1, 1], strides = [1, 1]} : vector<1x100xf32> to vector<1x1xf32>
    %squeeze3A_137 = vector.extract %slice3A_136[0, 0] : f32 from vector<1x1xf32>
    %slice3A_138 = vector.extract_strided_slice %broadcast_in_dim3A {offsets = [0, 37], sizes = [1, 1], strides = [1, 1]} : vector<1x100xf32> to vector<1x1xf32>
    %squeeze3A_139 = vector.extract %slice3A_138[0, 0] : f32 from vector<1x1xf32>
    %slice3A_140 = vector.extract_strided_slice %broadcast_in_dim3A {offsets = [0, 38], sizes = [1, 1], strides = [1, 1]} : vector<1x100xf32> to vector<1x1xf32>
    %squeeze3A_141 = vector.extract %slice3A_140[0, 0] : f32 from vector<1x1xf32>
    %slice3A_142 = vector.extract_strided_slice %broadcast_in_dim3A {offsets = [0, 39], sizes = [1, 1], strides = [1, 1]} : vector<1x100xf32> to vector<1x1xf32>
    %squeeze3A_143 = vector.extract %slice3A_142[0, 0] : f32 from vector<1x1xf32>
    %slice3A_144 = vector.extract_strided_slice %broadcast_in_dim3A {offsets = [0, 41], sizes = [1, 1], strides = [1, 1]} : vector<1x100xf32> to vector<1x1xf32>
    %squeeze3A_145 = vector.extract %slice3A_144[0, 0] : f32 from vector<1x1xf32>
    %slice3A_146 = vector.extract_strided_slice %broadcast_in_dim3A {offsets = [0, 42], sizes = [1, 1], strides = [1, 1]} : vector<1x100xf32> to vector<1x1xf32>
    %squeeze3A_147 = vector.extract %slice3A_146[0, 0] : f32 from vector<1x1xf32>
    %slice3A_148 = vector.extract_strided_slice %broadcast_in_dim3A {offsets = [0, 43], sizes = [1, 1], strides = [1, 1]} : vector<1x100xf32> to vector<1x1xf32>
    %squeeze3A_149 = vector.extract %slice3A_148[0, 0] : f32 from vector<1x1xf32>
    %slice3A_150 = vector.extract_strided_slice %broadcast_in_dim3A {offsets = [0, 44], sizes = [1, 1], strides = [1, 1]} : vector<1x100xf32> to vector<1x1xf32>
    %squeeze3A_151 = vector.extract %slice3A_150[0, 0] : f32 from vector<1x1xf32>
    %slice3A_152 = vector.extract_strided_slice %broadcast_in_dim3A {offsets = [0, 46], sizes = [1, 1], strides = [1, 1]} : vector<1x100xf32> to vector<1x1xf32>
    %squeeze3A_153 = vector.extract %slice3A_152[0, 0] : f32 from vector<1x1xf32>
    %slice3A_154 = vector.extract_strided_slice %broadcast_in_dim3A {offsets = [0, 47], sizes = [1, 1], strides = [1, 1]} : vector<1x100xf32> to vector<1x1xf32>
    %squeeze3A_155 = vector.extract %slice3A_154[0, 0] : f32 from vector<1x1xf32>
    %slice3A_156 = vector.extract_strided_slice %broadcast_in_dim3A {offsets = [0, 48], sizes = [1, 1], strides = [1, 1]} : vector<1x100xf32> to vector<1x1xf32>
    %squeeze3A_157 = vector.extract %slice3A_156[0, 0] : f32 from vector<1x1xf32>
    %slice3A_158 = vector.extract_strided_slice %broadcast_in_dim3A {offsets = [0, 49], sizes = [1, 1], strides = [1, 1]} : vector<1x100xf32> to vector<1x1xf32>
    %squeeze3A_159 = vector.extract %slice3A_158[0, 0] : f32 from vector<1x1xf32>
    %slice3A_160 = vector.extract_strided_slice %broadcast_in_dim3A {offsets = [0, 50], sizes = [1, 1], strides = [1, 1]} : vector<1x100xf32> to vector<1x1xf32>
    %squeeze3A_161 = vector.extract %slice3A_160[0, 0] : f32 from vector<1x1xf32>
    %slice3A_162 = vector.extract_strided_slice %broadcast_in_dim3A {offsets = [0, 51], sizes = [1, 1], strides = [1, 1]} : vector<1x100xf32> to vector<1x1xf32>
    %squeeze3A_163 = vector.extract %slice3A_162[0, 0] : f32 from vector<1x1xf32>
    %slice3A_164 = vector.extract_strided_slice %broadcast_in_dim3A {offsets = [0, 52], sizes = [1, 1], strides = [1, 1]} : vector<1x100xf32> to vector<1x1xf32>
    %squeeze3A_165 = vector.extract %slice3A_164[0, 0] : f32 from vector<1x1xf32>
    %slice3A_166 = vector.extract_strided_slice %broadcast_in_dim3A {offsets = [0, 53], sizes = [1, 1], strides = [1, 1]} : vector<1x100xf32> to vector<1x1xf32>
    %squeeze3A_167 = vector.extract %slice3A_166[0, 0] : f32 from vector<1x1xf32>
    %slice3A_168 = vector.extract_strided_slice %broadcast_in_dim3A {offsets = [0, 54], sizes = [1, 1], strides = [1, 1]} : vector<1x100xf32> to vector<1x1xf32>
    %squeeze3A_169 = vector.extract %slice3A_168[0, 0] : f32 from vector<1x1xf32>
    %slice3A_170 = vector.extract_strided_slice %broadcast_in_dim3A {offsets = [0, 55], sizes = [1, 1], strides = [1, 1]} : vector<1x100xf32> to vector<1x1xf32>
    %squeeze3A_171 = vector.extract %slice3A_170[0, 0] : f32 from vector<1x1xf32>
    %slice3A_172 = vector.extract_strided_slice %broadcast_in_dim3A {offsets = [0, 56], sizes = [1, 1], strides = [1, 1]} : vector<1x100xf32> to vector<1x1xf32>
    %squeeze3A_173 = vector.extract %slice3A_172[0, 0] : f32 from vector<1x1xf32>
    %slice3A_174 = vector.extract_strided_slice %broadcast_in_dim3A {offsets = [0, 57], sizes = [1, 1], strides = [1, 1]} : vector<1x100xf32> to vector<1x1xf32>
    %squeeze3A_175 = vector.extract %slice3A_174[0, 0] : f32 from vector<1x1xf32>
    %slice3A_176 = vector.extract_strided_slice %broadcast_in_dim3A {offsets = [0, 58], sizes = [1, 1], strides = [1, 1]} : vector<1x100xf32> to vector<1x1xf32>
    %squeeze3A_177 = vector.extract %slice3A_176[0, 0] : f32 from vector<1x1xf32>
    %slice3A_178 = vector.extract_strided_slice %broadcast_in_dim3A {offsets = [0, 59], sizes = [1, 1], strides = [1, 1]} : vector<1x100xf32> to vector<1x1xf32>
    %squeeze3A_179 = vector.extract %slice3A_178[0, 0] : f32 from vector<1x1xf32>
    %slice3A_180 = vector.extract_strided_slice %broadcast_in_dim3A {offsets = [0, 60], sizes = [1, 1], strides = [1, 1]} : vector<1x100xf32> to vector<1x1xf32>
    %squeeze3A_181 = vector.extract %slice3A_180[0, 0] : f32 from vector<1x1xf32>
    %slice3A_182 = vector.extract_strided_slice %broadcast_in_dim3A {offsets = [0, 61], sizes = [1, 1], strides = [1, 1]} : vector<1x100xf32> to vector<1x1xf32>
    %squeeze3A_183 = vector.extract %slice3A_182[0, 0] : f32 from vector<1x1xf32>
    %slice3A_184 = vector.extract_strided_slice %broadcast_in_dim3A {offsets = [0, 62], sizes = [1, 1], strides = [1, 1]} : vector<1x100xf32> to vector<1x1xf32>
    %squeeze3A_185 = vector.extract %slice3A_184[0, 0] : f32 from vector<1x1xf32>
    %slice3A_186 = vector.extract_strided_slice %broadcast_in_dim3A {offsets = [0, 63], sizes = [1, 1], strides = [1, 1]} : vector<1x100xf32> to vector<1x1xf32>
    %squeeze3A_187 = vector.extract %slice3A_186[0, 0] : f32 from vector<1x1xf32>
    %slice3A_188 = vector.extract_strided_slice %broadcast_in_dim3A {offsets = [0, 64], sizes = [1, 1], strides = [1, 1]} : vector<1x100xf32> to vector<1x1xf32>
    %squeeze3A_189 = vector.extract %slice3A_188[0, 0] : f32 from vector<1x1xf32>
    %slice3A_190 = vector.extract_strided_slice %broadcast_in_dim3A {offsets = [0, 65], sizes = [1, 1], strides = [1, 1]} : vector<1x100xf32> to vector<1x1xf32>
    %squeeze3A_191 = vector.extract %slice3A_190[0, 0] : f32 from vector<1x1xf32>
    %slice3A_192 = vector.extract_strided_slice %broadcast_in_dim3A {offsets = [0, 66], sizes = [1, 1], strides = [1, 1]} : vector<1x100xf32> to vector<1x1xf32>
    %squeeze3A_193 = vector.extract %slice3A_192[0, 0] : f32 from vector<1x1xf32>
    %slice3A_194 = vector.extract_strided_slice %broadcast_in_dim3A {offsets = [0, 67], sizes = [1, 1], strides = [1, 1]} : vector<1x100xf32> to vector<1x1xf32>
    %squeeze3A_195 = vector.extract %slice3A_194[0, 0] : f32 from vector<1x1xf32>
    %slice3A_196 = vector.extract_strided_slice %broadcast_in_dim3A {offsets = [0, 68], sizes = [1, 1], strides = [1, 1]} : vector<1x100xf32> to vector<1x1xf32>
    %squeeze3A_197 = vector.extract %slice3A_196[0, 0] : f32 from vector<1x1xf32>
    %slice3A_198 = vector.extract_strided_slice %broadcast_in_dim3A {offsets = [0, 69], sizes = [1, 1], strides = [1, 1]} : vector<1x100xf32> to vector<1x1xf32>
    %squeeze3A_199 = vector.extract %slice3A_198[0, 0] : f32 from vector<1x1xf32>
    %slice3A_200 = vector.extract_strided_slice %broadcast_in_dim3A {offsets = [0, 70], sizes = [1, 1], strides = [1, 1]} : vector<1x100xf32> to vector<1x1xf32>
    %squeeze3A_201 = vector.extract %slice3A_200[0, 0] : f32 from vector<1x1xf32>
    %slice3A_202 = vector.extract_strided_slice %broadcast_in_dim3A {offsets = [0, 71], sizes = [1, 1], strides = [1, 1]} : vector<1x100xf32> to vector<1x1xf32>
    %squeeze3A_203 = vector.extract %slice3A_202[0, 0] : f32 from vector<1x1xf32>
    %slice3A_204 = vector.extract_strided_slice %broadcast_in_dim3A {offsets = [0, 72], sizes = [1, 1], strides = [1, 1]} : vector<1x100xf32> to vector<1x1xf32>
    %squeeze3A_205 = vector.extract %slice3A_204[0, 0] : f32 from vector<1x1xf32>
    %slice3A_206 = vector.extract_strided_slice %broadcast_in_dim3A {offsets = [0, 73], sizes = [1, 1], strides = [1, 1]} : vector<1x100xf32> to vector<1x1xf32>
    %squeeze3A_207 = vector.extract %slice3A_206[0, 0] : f32 from vector<1x1xf32>
    %slice3A_208 = vector.extract_strided_slice %broadcast_in_dim3A {offsets = [0, 74], sizes = [1, 1], strides = [1, 1]} : vector<1x100xf32> to vector<1x1xf32>
    %squeeze3A_209 = vector.extract %slice3A_208[0, 0] : f32 from vector<1x1xf32>
    %slice3A_210 = vector.extract_strided_slice %broadcast_in_dim3A {offsets = [0, 75], sizes = [1, 1], strides = [1, 1]} : vector<1x100xf32> to vector<1x1xf32>
    %squeeze3A_211 = vector.extract %slice3A_210[0, 0] : f32 from vector<1x1xf32>
    %slice3A_212 = vector.extract_strided_slice %broadcast_in_dim3A {offsets = [0, 76], sizes = [1, 1], strides = [1, 1]} : vector<1x100xf32> to vector<1x1xf32>
    %squeeze3A_213 = vector.extract %slice3A_212[0, 0] : f32 from vector<1x1xf32>
    %add3A_214 = arith.addf %squeeze3A_211, %squeeze3A_213 : f32
    %slice3A_215 = vector.extract_strided_slice %broadcast_in_dim3A {offsets = [0, 77], sizes = [1, 1], strides = [1, 1]} : vector<1x100xf32> to vector<1x1xf32>
    %squeeze3A_216 = vector.extract %slice3A_215[0, 0] : f32 from vector<1x1xf32>
    %add3A_217 = arith.addf %add3A_214, %squeeze3A_216 : f32
    %slice3A_218 = vector.extract_strided_slice %broadcast_in_dim3A {offsets = [0, 78], sizes = [1, 1], strides = [1, 1]} : vector<1x100xf32> to vector<1x1xf32>
    %squeeze3A_219 = vector.extract %slice3A_218[0, 0] : f32 from vector<1x1xf32>
    %add3A_220 = arith.addf %add3A_217, %squeeze3A_219 : f32
    %slice3A_221 = vector.extract_strided_slice %broadcast_in_dim3A {offsets = [0, 79], sizes = [1, 1], strides = [1, 1]} : vector<1x100xf32> to vector<1x1xf32>
    %squeeze3A_222 = vector.extract %slice3A_221[0, 0] : f32 from vector<1x1xf32>
    %add3A_223 = arith.addf %add3A_220, %squeeze3A_222 : f32
    %slice3A_224 = vector.extract_strided_slice %broadcast_in_dim3A {offsets = [0, 80], sizes = [1, 1], strides = [1, 1]} : vector<1x100xf32> to vector<1x1xf32>
    %squeeze3A_225 = vector.extract %slice3A_224[0, 0] : f32 from vector<1x1xf32>
    %slice3A_226 = vector.extract_strided_slice %broadcast_in_dim3A {offsets = [0, 81], sizes = [1, 1], strides = [1, 1]} : vector<1x100xf32> to vector<1x1xf32>
    %squeeze3A_227 = vector.extract %slice3A_226[0, 0] : f32 from vector<1x1xf32>
    %add3A_228 = arith.addf %squeeze3A_225, %squeeze3A_227 : f32
    %slice3A_229 = vector.extract_strided_slice %broadcast_in_dim3A {offsets = [0, 82], sizes = [1, 1], strides = [1, 1]} : vector<1x100xf32> to vector<1x1xf32>
    %squeeze3A_230 = vector.extract %slice3A_229[0, 0] : f32 from vector<1x1xf32>
    %add3A_231 = arith.addf %add3A_228, %squeeze3A_230 : f32
    %slice3A_232 = vector.extract_strided_slice %broadcast_in_dim3A {offsets = [0, 83], sizes = [1, 1], strides = [1, 1]} : vector<1x100xf32> to vector<1x1xf32>
    %squeeze3A_233 = vector.extract %slice3A_232[0, 0] : f32 from vector<1x1xf32>
    %add3A_234 = arith.addf %add3A_231, %squeeze3A_233 : f32
    %slice3A_235 = vector.extract_strided_slice %broadcast_in_dim3A {offsets = [0, 84], sizes = [1, 1], strides = [1, 1]} : vector<1x100xf32> to vector<1x1xf32>
    %squeeze3A_236 = vector.extract %slice3A_235[0, 0] : f32 from vector<1x1xf32>
    %add3A_237 = arith.addf %add3A_234, %squeeze3A_236 : f32
    %slice3A_238 = vector.extract_strided_slice %broadcast_in_dim3A {offsets = [0, 85], sizes = [1, 1], strides = [1, 1]} : vector<1x100xf32> to vector<1x1xf32>
    %squeeze3A_239 = vector.extract %slice3A_238[0, 0] : f32 from vector<1x1xf32>
    %slice3A_240 = vector.extract_strided_slice %broadcast_in_dim3A {offsets = [0, 86], sizes = [1, 1], strides = [1, 1]} : vector<1x100xf32> to vector<1x1xf32>
    %squeeze3A_241 = vector.extract %slice3A_240[0, 0] : f32 from vector<1x1xf32>
    %add3A_242 = arith.addf %squeeze3A_239, %squeeze3A_241 : f32
    %slice3A_243 = vector.extract_strided_slice %broadcast_in_dim3A {offsets = [0, 87], sizes = [1, 1], strides = [1, 1]} : vector<1x100xf32> to vector<1x1xf32>
    %squeeze3A_244 = vector.extract %slice3A_243[0, 0] : f32 from vector<1x1xf32>
    %add3A_245 = arith.addf %add3A_242, %squeeze3A_244 : f32
    %slice3A_246 = vector.extract_strided_slice %broadcast_in_dim3A {offsets = [0, 88], sizes = [1, 1], strides = [1, 1]} : vector<1x100xf32> to vector<1x1xf32>
    %squeeze3A_247 = vector.extract %slice3A_246[0, 0] : f32 from vector<1x1xf32>
    %add3A_248 = arith.addf %add3A_245, %squeeze3A_247 : f32
    %slice3A_249 = vector.extract_strided_slice %broadcast_in_dim3A {offsets = [0, 89], sizes = [1, 1], strides = [1, 1]} : vector<1x100xf32> to vector<1x1xf32>
    %squeeze3A_250 = vector.extract %slice3A_249[0, 0] : f32 from vector<1x1xf32>
    %add3A_251 = arith.addf %add3A_248, %squeeze3A_250 : f32
    %slice3A_252 = vector.extract_strided_slice %broadcast_in_dim3A {offsets = [0, 90], sizes = [1, 1], strides = [1, 1]} : vector<1x100xf32> to vector<1x1xf32>
    %squeeze3A_253 = vector.extract %slice3A_252[0, 0] : f32 from vector<1x1xf32>
    %slice3A_254 = vector.extract_strided_slice %broadcast_in_dim3A {offsets = [0, 91], sizes = [1, 1], strides = [1, 1]} : vector<1x100xf32> to vector<1x1xf32>
    %squeeze3A_255 = vector.extract %slice3A_254[0, 0] : f32 from vector<1x1xf32>
    %add3A_256 = arith.addf %squeeze3A_253, %squeeze3A_255 : f32
    %slice3A_257 = vector.extract_strided_slice %broadcast_in_dim3A {offsets = [0, 92], sizes = [1, 1], strides = [1, 1]} : vector<1x100xf32> to vector<1x1xf32>
    %squeeze3A_258 = vector.extract %slice3A_257[0, 0] : f32 from vector<1x1xf32>
    %add3A_259 = arith.addf %add3A_256, %squeeze3A_258 : f32
    %slice3A_260 = vector.extract_strided_slice %broadcast_in_dim3A {offsets = [0, 93], sizes = [1, 1], strides = [1, 1]} : vector<1x100xf32> to vector<1x1xf32>
    %squeeze3A_261 = vector.extract %slice3A_260[0, 0] : f32 from vector<1x1xf32>
    %add3A_262 = arith.addf %add3A_259, %squeeze3A_261 : f32
    %slice3A_263 = vector.extract_strided_slice %broadcast_in_dim3A {offsets = [0, 94], sizes = [1, 1], strides = [1, 1]} : vector<1x100xf32> to vector<1x1xf32>
    %squeeze3A_264 = vector.extract %slice3A_263[0, 0] : f32 from vector<1x1xf32>
    %add3A_265 = arith.addf %add3A_262, %squeeze3A_264 : f32
    %slice3A_266 = vector.extract_strided_slice %broadcast_in_dim3A {offsets = [0, 95], sizes = [1, 1], strides = [1, 1]} : vector<1x100xf32> to vector<1x1xf32>
    %squeeze3A_267 = vector.extract %slice3A_266[0, 0] : f32 from vector<1x1xf32>
    %slice3A_268 = vector.extract_strided_slice %broadcast_in_dim3A {offsets = [0, 96], sizes = [1, 1], strides = [1, 1]} : vector<1x100xf32> to vector<1x1xf32>
    %squeeze3A_269 = vector.extract %slice3A_268[0, 0] : f32 from vector<1x1xf32>
    %add3A_270 = arith.addf %squeeze3A_267, %squeeze3A_269 : f32
    %slice3A_271 = vector.extract_strided_slice %broadcast_in_dim3A {offsets = [0, 97], sizes = [1, 1], strides = [1, 1]} : vector<1x100xf32> to vector<1x1xf32>
    %squeeze3A_272 = vector.extract %slice3A_271[0, 0] : f32 from vector<1x1xf32>
    %add3A_273 = arith.addf %add3A_270, %squeeze3A_272 : f32
    %slice3A_274 = vector.extract_strided_slice %broadcast_in_dim3A {offsets = [0, 98], sizes = [1, 1], strides = [1, 1]} : vector<1x100xf32> to vector<1x1xf32>
    %squeeze3A_275 = vector.extract %slice3A_274[0, 0] : f32 from vector<1x1xf32>
    %add3A_276 = arith.addf %add3A_273, %squeeze3A_275 : f32
    %slice3A_277 = vector.extract_strided_slice %broadcast_in_dim3A {offsets = [0, 99], sizes = [1, 1], strides = [1, 1]} : vector<1x100xf32> to vector<1x1xf32>
    %squeeze3A_278 = vector.extract %slice3A_277[0, 0] : f32 from vector<1x1xf32>
    %add3A_279 = arith.addf %add3A_276, %squeeze3A_278 : f32
    %add3A_280 = arith.addi %convert_element_type3A, %convert_element_type3A_50 : i32
    %add3A_281 = arith.addi %add3A_280, %convert_element_type3A_53 : i32
    %add3A_282 = arith.addi %add3A_281, %convert_element_type3A_56 : i32
    %add3A_283 = arith.addi %add3A_282, %convert_element_type3A_59 : i32
    %add3A_284 = arith.addi %convert_element_type3A_62, %convert_element_type3A_65 : i32
    %add3A_285 = arith.addi %add3A_284, %convert_element_type3A_68 : i32
    %add3A_286 = arith.addi %add3A_285, %convert_element_type3A_71 : i32
    %add3A_287 = arith.addi %add3A_286, %convert_element_type3A_74 : i32
    %add3A_288 = arith.addi %convert_element_type3A_77, %convert_element_type3A_80 : i32
    %add3A_289 = arith.addi %add3A_288, %convert_element_type3A_83 : i32
    %add3A_290 = arith.addi %add3A_289, %convert_element_type3A_86 : i32
    %add3A_291 = arith.addi %add3A_290, %convert_element_type3A_89 : i32
    %add3A_292 = arith.addi %convert_element_type3A_92, %convert_element_type3A_95 : i32
    %add3A_293 = arith.addi %add3A_292, %convert_element_type3A_98 : i32
    %add3A_294 = arith.addi %add3A_293, %convert_element_type3A_101 : i32
    %add3A_295 = arith.addi %add3A_294, %convert_element_type3A_104 : i32
    %add3A_296 = arith.addi %convert_element_type3A_107, %convert_element_type3A_110 : i32
    %add3A_297 = arith.addi %add3A_296, %convert_element_type3A_113 : i32
    %add3A_298 = arith.addi %add3A_297, %convert_element_type3A_116 : i32
    %add3A_299 = arith.addi %add3A_298, %convert_element_type3A_119 : i32
    %add3A_300 = arith.addf %squeeze3A_161, %squeeze3A_163 : f32
    %add3A_301 = arith.addf %add3A_300, %squeeze3A_165 : f32
    %add3A_302 = arith.addf %add3A_301, %squeeze3A_167 : f32
    %add3A_303 = arith.addf %add3A_302, %squeeze3A_169 : f32
    %add3A_304 = arith.addf %squeeze3A_171, %squeeze3A_173 : f32
    %add3A_305 = arith.addf %add3A_304, %squeeze3A_175 : f32
    %add3A_306 = arith.addf %add3A_305, %squeeze3A_177 : f32
    %add3A_307 = arith.addf %add3A_306, %squeeze3A_179 : f32
    %add3A_308 = arith.addf %squeeze3A_181, %squeeze3A_183 : f32
    %add3A_309 = arith.addf %add3A_308, %squeeze3A_185 : f32
    %add3A_310 = arith.addf %add3A_309, %squeeze3A_187 : f32
    %add3A_311 = arith.addf %add3A_310, %squeeze3A_189 : f32
    %add3A_312 = arith.addf %squeeze3A_191, %squeeze3A_193 : f32
    %add3A_313 = arith.addf %add3A_312, %squeeze3A_195 : f32
    %add3A_314 = arith.addf %add3A_313, %squeeze3A_197 : f32
    %add3A_315 = arith.addf %add3A_314, %squeeze3A_199 : f32
    %add3A_316 = arith.addf %squeeze3A_201, %squeeze3A_203 : f32
    %add3A_317 = arith.addf %add3A_316, %squeeze3A_205 : f32
    %add3A_318 = arith.addf %add3A_317, %squeeze3A_207 : f32
    %add3A_319 = arith.addf %add3A_318, %squeeze3A_209 : f32
    %gt3A = arith.constant 0 : i32
    %gt3A_320 = arith.cmpi sgt, %add3A_287, %gt3A : i32
    %get3A_321 = arith.constant 0 : index
    %get3A_322 = arith.constant 0 : index
    %get3A_323 = memref.load %arg1[%get3A_321, %get3A_322] : memref<1x4xi32, #tpu.memory_space<smem>>
    %lt3A = arith.constant 262144 : i32
    %lt3A_324 = arith.cmpi slt, %add3A_287, %lt3A : i32
    %convert_element_type3A_325 = arith.extui %lt3A_324 : i1 to i32
    %add3A_326 = arith.addi %get3A_323, %convert_element_type3A_325 : i32
    %mul3A_327 = arith.constant 1 : i32
    %mul3A_328 = arith.muli %get3A_323, %mul3A_327 : i32
    %convert_element_type3A_329 = arith.sitofp %mul3A_328 : i32 to f32
    %add3A_330 = arith.constant 0.000000e+00 : f32
    %add3A_331 = arith.constant 0.000000e+00 : f32
    %add3A_332 = arith.addf %add3A_330, %add3A_331 : f32
    %add3A_333 = arith.addf %add3A_332, %convert_element_type3A_329 : f32
    %add3A_334 = arith.constant 0.000000e+00 : f32
    %add3A_335 = arith.constant 1.000000e+00 : f32
    %add3A_336 = arith.addf %add3A_334, %add3A_335 : f32
    %add3A_337 = arith.addf %add3A_336, %convert_element_type3A_329 : f32
    %add3A_338 = arith.constant 0.000000e+00 : f32
    %add3A_339 = arith.constant 0.000000e+00 : f32
    %add3A_340 = arith.addf %add3A_338, %add3A_339 : f32
    %add3A_341 = arith.addf %add3A_340, %convert_element_type3A_329 : f32
    %add3A_342 = arith.constant 0.000000e+00 : f32
    %add3A_343 = arith.constant 0.000000e+00 : f32
    %add3A_344 = arith.addf %add3A_342, %add3A_343 : f32
    %add3A_345 = arith.addf %add3A_344, %convert_element_type3A_329 : f32
    %add3A_346 = arith.constant 0.000000e+00 : f32
    %add3A_347 = arith.constant 0.000000e+00 : f32
    %add3A_348 = arith.addf %add3A_346, %add3A_347 : f32
    %add3A_349 = arith.addf %add3A_348, %convert_element_type3A_329 : f32
    %jit3A = arith.constant 0 : i32
    %select_n3A = arith.select %gt3A_320, %add3A_326, %jit3A : i32
    %add3A_350 = arith.constant 1 : i32
    %add3A_351 = arith.addi %add3A_350, %select_n3A : i32
    %gt3A_352 = arith.constant 0 : i32
    %gt3A_353 = arith.cmpi sgt, %add3A_291, %gt3A_352 : i32
    %get3A_354 = arith.constant 0 : index
    %get3A_355 = arith.constant 1 : index
    %get3A_356 = memref.load %arg1[%get3A_354, %get3A_355] : memref<1x4xi32, #tpu.memory_space<smem>>
    %lt3A_357 = arith.constant 262144 : i32
    %lt3A_358 = arith.cmpi slt, %add3A_291, %lt3A_357 : i32
    %convert_element_type3A_359 = arith.extui %lt3A_358 : i1 to i32
    %add3A_360 = arith.addi %get3A_356, %convert_element_type3A_359 : i32
    %mul3A_361 = arith.muli %get3A_356, %add3A_351 : i32
    %convert_element_type3A_362 = arith.sitofp %mul3A_361 : i32 to f32
    %add3A_363 = arith.constant 0.000000e+00 : f32
    %add3A_364 = arith.addf %add3A_333, %add3A_363 : f32
    %add3A_365 = arith.addf %add3A_364, %convert_element_type3A_362 : f32
    %add3A_366 = arith.constant 0.000000e+00 : f32
    %add3A_367 = arith.addf %add3A_337, %add3A_366 : f32
    %add3A_368 = arith.addf %add3A_367, %convert_element_type3A_362 : f32
    %add3A_369 = arith.constant 1.000000e+00 : f32
    %add3A_370 = arith.addf %add3A_341, %add3A_369 : f32
    %add3A_371 = arith.addf %add3A_370, %convert_element_type3A_362 : f32
    %add3A_372 = arith.constant 0.000000e+00 : f32
    %add3A_373 = arith.addf %add3A_345, %add3A_372 : f32
    %add3A_374 = arith.addf %add3A_373, %convert_element_type3A_362 : f32
    %add3A_375 = arith.constant 0.000000e+00 : f32
    %add3A_376 = arith.addf %add3A_349, %add3A_375 : f32
    %add3A_377 = arith.addf %add3A_376, %convert_element_type3A_362 : f32
    %jit3A_378 = arith.constant 0 : i32
    %select_n3A_379 = arith.select %gt3A_353, %add3A_360, %jit3A_378 : i32
    %add3A_380 = arith.addi %add3A_351, %select_n3A_379 : i32
    %gt3A_381 = arith.constant 0 : i32
    %gt3A_382 = arith.cmpi sgt, %add3A_295, %gt3A_381 : i32
    %get3A_383 = arith.constant 0 : index
    %get3A_384 = arith.constant 2 : index
    %get3A_385 = memref.load %arg1[%get3A_383, %get3A_384] : memref<1x4xi32, #tpu.memory_space<smem>>
    %lt3A_386 = arith.constant 262144 : i32
    %lt3A_387 = arith.cmpi slt, %add3A_295, %lt3A_386 : i32
    %convert_element_type3A_388 = arith.extui %lt3A_387 : i1 to i32
    %add3A_389 = arith.addi %get3A_385, %convert_element_type3A_388 : i32
    %mul3A_390 = arith.muli %get3A_385, %add3A_380 : i32
    %convert_element_type3A_391 = arith.sitofp %mul3A_390 : i32 to f32
    %add3A_392 = arith.constant 0.000000e+00 : f32
    %add3A_393 = arith.addf %add3A_365, %add3A_392 : f32
    %add3A_394 = arith.addf %add3A_393, %convert_element_type3A_391 : f32
    %add3A_395 = arith.constant 0.000000e+00 : f32
    %add3A_396 = arith.addf %add3A_368, %add3A_395 : f32
    %add3A_397 = arith.addf %add3A_396, %convert_element_type3A_391 : f32
    %add3A_398 = arith.constant 0.000000e+00 : f32
    %add3A_399 = arith.addf %add3A_371, %add3A_398 : f32
    %add3A_400 = arith.addf %add3A_399, %convert_element_type3A_391 : f32
    %add3A_401 = arith.constant 1.000000e+00 : f32
    %add3A_402 = arith.addf %add3A_374, %add3A_401 : f32
    %add3A_403 = arith.addf %add3A_402, %convert_element_type3A_391 : f32
    %add3A_404 = arith.constant 0.000000e+00 : f32
    %add3A_405 = arith.addf %add3A_377, %add3A_404 : f32
    %add3A_406 = arith.addf %add3A_405, %convert_element_type3A_391 : f32
    %jit3A_407 = arith.constant 0 : i32
    %select_n3A_408 = arith.select %gt3A_382, %add3A_389, %jit3A_407 : i32
    %add3A_409 = arith.addi %add3A_380, %select_n3A_408 : i32
    %get3A_410 = arith.constant 0 : index
    %get3A_411 = arith.constant 3 : index
    %get3A_412 = memref.load %arg1[%get3A_410, %get3A_411] : memref<1x4xi32, #tpu.memory_space<smem>>
    %mul3A_413 = arith.muli %get3A_412, %add3A_409 : i32
    %convert_element_type3A_414 = arith.sitofp %mul3A_413 : i32 to f32
    %add3A_415 = arith.constant 0.000000e+00 : f32
    %add3A_416 = arith.addf %add3A_394, %add3A_415 : f32
    %add3A_417 = arith.addf %add3A_416, %convert_element_type3A_414 : f32
    %add3A_418 = arith.constant 0.000000e+00 : f32
    %add3A_419 = arith.addf %add3A_397, %add3A_418 : f32
    %add3A_420 = arith.addf %add3A_419, %convert_element_type3A_414 : f32
    %add3A_421 = arith.constant 0.000000e+00 : f32
    %add3A_422 = arith.addf %add3A_400, %add3A_421 : f32
    %add3A_423 = arith.addf %add3A_422, %convert_element_type3A_414 : f32
    %add3A_424 = arith.constant 0.000000e+00 : f32
    %add3A_425 = arith.addf %add3A_403, %add3A_424 : f32
    %add3A_426 = arith.addf %add3A_425, %convert_element_type3A_414 : f32
    %add3A_427 = arith.constant 1.000000e+00 : f32
    %add3A_428 = arith.addf %add3A_406, %add3A_427 : f32
    %add3A_429 = arith.addf %add3A_428, %convert_element_type3A_414 : f32
    %add3A_430 = arith.addi %convert_element_type3A_50, %convert_element_type3A_65 : i32
    %add3A_431 = arith.addi %add3A_430, %convert_element_type3A_80 : i32
    %add3A_432 = arith.addi %add3A_431, %convert_element_type3A_95 : i32
    %add3A_433 = arith.addi %add3A_432, %convert_element_type3A_110 : i32
    %sub3A_434 = arith.constant 1 : i32
    %sub3A_435 = arith.subi %add3A_433, %sub3A_434 : i32
    %jit3A_436 = arith.constant 2 : i32
    %div3A_437 = arith.divsi %sub3A_435, %jit3A_436 : i32
    %sign3A = arith.constant 0 : i32
    %sign3A_438 = arith.cmpi sgt, %sub3A_435, %sign3A : i32
    %sign3A_439 = arith.extui %sign3A_438 : i1 to i32
    %sign3A_440 = arith.constant 0 : i32
    %sign3A_441 = arith.cmpi slt, %sub3A_435, %sign3A_440 : i32
    %sign3A_442 = arith.extui %sign3A_441 : i1 to i32
    %sign3A_443 = arith.subi %sign3A_439, %sign3A_442 : i32
    %sign3A_444 = arith.constant 0 : i32
    %sign3A_445 = arith.cmpi sgt, %jit3A_436, %sign3A_444 : i32
    %sign3A_446 = arith.extui %sign3A_445 : i1 to i32
    %sign3A_447 = arith.constant 0 : i32
    %sign3A_448 = arith.cmpi slt, %jit3A_436, %sign3A_447 : i32
    %sign3A_449 = arith.extui %sign3A_448 : i1 to i32
    %sign3A_450 = arith.subi %sign3A_446, %sign3A_449 : i32
    %ne3A = arith.cmpi ne, %sign3A_443, %sign3A_450 : i32
    %rem3A = arith.remsi %sub3A_435, %jit3A_436 : i32
    %ne3A_451 = arith.constant 0 : i32
    %ne3A_452 = arith.cmpi ne, %rem3A, %ne3A_451 : i32
    %and3A = arith.andi %ne3A, %ne3A_452 : i1
    %sub3A_453 = arith.constant 1 : i32
    %sub3A_454 = arith.subi %div3A_437, %sub3A_453 : i32
    %select_n3A_455 = arith.select %and3A, %sub3A_454, %div3A_437 : i32
    %le3A = arith.cmpf ole, %add3A_417, %add3A_417 : f32
    %jit3A_456 = arith.constant 0 : i32
    %select_n3A_457 = arith.select %le3A, %convert_element_type3A_50, %jit3A_456 : i32
    %add3A_458 = arith.constant 0 : i32
    %add3A_459 = arith.addi %add3A_458, %select_n3A_457 : i32
    %le3A_460 = arith.cmpf ole, %add3A_420, %add3A_417 : f32
    %jit3A_461 = arith.constant 0 : i32
    %select_n3A_462 = arith.select %le3A_460, %convert_element_type3A_65, %jit3A_461 : i32
    %add3A_463 = arith.addi %add3A_459, %select_n3A_462 : i32
    %le3A_464 = arith.cmpf ole, %add3A_423, %add3A_417 : f32
    %jit3A_465 = arith.constant 0 : i32
    %select_n3A_466 = arith.select %le3A_464, %convert_element_type3A_80, %jit3A_465 : i32
    %add3A_467 = arith.addi %add3A_463, %select_n3A_466 : i32
    %le3A_468 = arith.cmpf ole, %add3A_426, %add3A_417 : f32
    %jit3A_469 = arith.constant 0 : i32
    %select_n3A_470 = arith.select %le3A_468, %convert_element_type3A_95, %jit3A_469 : i32
    %add3A_471 = arith.addi %add3A_467, %select_n3A_470 : i32
    %le3A_472 = arith.cmpf ole, %add3A_429, %add3A_417 : f32
    %jit3A_473 = arith.constant 0 : i32
    %select_n3A_474 = arith.select %le3A_472, %convert_element_type3A_110, %jit3A_473 : i32
    %add3A_475 = arith.addi %add3A_471, %select_n3A_474 : i32
    %add3A_476 = arith.constant 1 : i32
    %add3A_477 = arith.addi %select_n3A_455, %add3A_476 : i32
    %ge3A = arith.cmpi sge, %add3A_475, %add3A_477 : i32
    %jit3A_478 = arith.constant 0x7F800000 : f32
    %select_n3A_479 = arith.select %ge3A, %add3A_417, %jit3A_478 : f32
    %min3A = arith.constant 0x7F800000 : f32
    %min3A_480 = arith.minimumf %min3A, %select_n3A_479 : f32
    %le3A_481 = arith.cmpf ole, %add3A_417, %add3A_420 : f32
    %jit3A_482 = arith.constant 0 : i32
    %select_n3A_483 = arith.select %le3A_481, %convert_element_type3A_50, %jit3A_482 : i32
    %add3A_484 = arith.constant 0 : i32
    %add3A_485 = arith.addi %add3A_484, %select_n3A_483 : i32
    %le3A_486 = arith.cmpf ole, %add3A_420, %add3A_420 : f32
    %jit3A_487 = arith.constant 0 : i32
    %select_n3A_488 = arith.select %le3A_486, %convert_element_type3A_65, %jit3A_487 : i32
    %add3A_489 = arith.addi %add3A_485, %select_n3A_488 : i32
    %le3A_490 = arith.cmpf ole, %add3A_423, %add3A_420 : f32
    %jit3A_491 = arith.constant 0 : i32
    %select_n3A_492 = arith.select %le3A_490, %convert_element_type3A_80, %jit3A_491 : i32
    %add3A_493 = arith.addi %add3A_489, %select_n3A_492 : i32
    %le3A_494 = arith.cmpf ole, %add3A_426, %add3A_420 : f32
    %jit3A_495 = arith.constant 0 : i32
    %select_n3A_496 = arith.select %le3A_494, %convert_element_type3A_95, %jit3A_495 : i32
    %add3A_497 = arith.addi %add3A_493, %select_n3A_496 : i32
    %le3A_498 = arith.cmpf ole, %add3A_429, %add3A_420 : f32
    %jit3A_499 = arith.constant 0 : i32
    %select_n3A_500 = arith.select %le3A_498, %convert_element_type3A_110, %jit3A_499 : i32
    %add3A_501 = arith.addi %add3A_497, %select_n3A_500 : i32
    %add3A_502 = arith.constant 1 : i32
    %add3A_503 = arith.addi %select_n3A_455, %add3A_502 : i32
    %ge3A_504 = arith.cmpi sge, %add3A_501, %add3A_503 : i32
    %jit3A_505 = arith.constant 0x7F800000 : f32
    %select_n3A_506 = arith.select %ge3A_504, %add3A_420, %jit3A_505 : f32
    %min3A_507 = arith.minimumf %min3A_480, %select_n3A_506 : f32
    %le3A_508 = arith.cmpf ole, %add3A_417, %add3A_423 : f32
    %jit3A_509 = arith.constant 0 : i32
    %select_n3A_510 = arith.select %le3A_508, %convert_element_type3A_50, %jit3A_509 : i32
    %add3A_511 = arith.constant 0 : i32
    %add3A_512 = arith.addi %add3A_511, %select_n3A_510 : i32
    %le3A_513 = arith.cmpf ole, %add3A_420, %add3A_423 : f32
    %jit3A_514 = arith.constant 0 : i32
    %select_n3A_515 = arith.select %le3A_513, %convert_element_type3A_65, %jit3A_514 : i32
    %add3A_516 = arith.addi %add3A_512, %select_n3A_515 : i32
    %le3A_517 = arith.cmpf ole, %add3A_423, %add3A_423 : f32
    %jit3A_518 = arith.constant 0 : i32
    %select_n3A_519 = arith.select %le3A_517, %convert_element_type3A_80, %jit3A_518 : i32
    %add3A_520 = arith.addi %add3A_516, %select_n3A_519 : i32
    %le3A_521 = arith.cmpf ole, %add3A_426, %add3A_423 : f32
    %jit3A_522 = arith.constant 0 : i32
    %select_n3A_523 = arith.select %le3A_521, %convert_element_type3A_95, %jit3A_522 : i32
    %add3A_524 = arith.addi %add3A_520, %select_n3A_523 : i32
    %le3A_525 = arith.cmpf ole, %add3A_429, %add3A_423 : f32
    %jit3A_526 = arith.constant 0 : i32
    %select_n3A_527 = arith.select %le3A_525, %convert_element_type3A_110, %jit3A_526 : i32
    %add3A_528 = arith.addi %add3A_524, %select_n3A_527 : i32
    %add3A_529 = arith.constant 1 : i32
    %add3A_530 = arith.addi %select_n3A_455, %add3A_529 : i32
    %ge3A_531 = arith.cmpi sge, %add3A_528, %add3A_530 : i32
    %jit3A_532 = arith.constant 0x7F800000 : f32
    %select_n3A_533 = arith.select %ge3A_531, %add3A_423, %jit3A_532 : f32
    %min3A_534 = arith.minimumf %min3A_507, %select_n3A_533 : f32
    %le3A_535 = arith.cmpf ole, %add3A_417, %add3A_426 : f32
    %jit3A_536 = arith.constant 0 : i32
    %select_n3A_537 = arith.select %le3A_535, %convert_element_type3A_50, %jit3A_536 : i32
    %add3A_538 = arith.constant 0 : i32
    %add3A_539 = arith.addi %add3A_538, %select_n3A_537 : i32
    %le3A_540 = arith.cmpf ole, %add3A_420, %add3A_426 : f32
    %jit3A_541 = arith.constant 0 : i32
    %select_n3A_542 = arith.select %le3A_540, %convert_element_type3A_65, %jit3A_541 : i32
    %add3A_543 = arith.addi %add3A_539, %select_n3A_542 : i32
    %le3A_544 = arith.cmpf ole, %add3A_423, %add3A_426 : f32
    %jit3A_545 = arith.constant 0 : i32
    %select_n3A_546 = arith.select %le3A_544, %convert_element_type3A_80, %jit3A_545 : i32
    %add3A_547 = arith.addi %add3A_543, %select_n3A_546 : i32
    %le3A_548 = arith.cmpf ole, %add3A_426, %add3A_426 : f32
    %jit3A_549 = arith.constant 0 : i32
    %select_n3A_550 = arith.select %le3A_548, %convert_element_type3A_95, %jit3A_549 : i32
    %add3A_551 = arith.addi %add3A_547, %select_n3A_550 : i32
    %le3A_552 = arith.cmpf ole, %add3A_429, %add3A_426 : f32
    %jit3A_553 = arith.constant 0 : i32
    %select_n3A_554 = arith.select %le3A_552, %convert_element_type3A_110, %jit3A_553 : i32
    %add3A_555 = arith.addi %add3A_551, %select_n3A_554 : i32
    %add3A_556 = arith.constant 1 : i32
    %add3A_557 = arith.addi %select_n3A_455, %add3A_556 : i32
    %ge3A_558 = arith.cmpi sge, %add3A_555, %add3A_557 : i32
    %jit3A_559 = arith.constant 0x7F800000 : f32
    %select_n3A_560 = arith.select %ge3A_558, %add3A_426, %jit3A_559 : f32
    %min3A_561 = arith.minimumf %min3A_534, %select_n3A_560 : f32
    %le3A_562 = arith.cmpf ole, %add3A_417, %add3A_429 : f32
    %jit3A_563 = arith.constant 0 : i32
    %select_n3A_564 = arith.select %le3A_562, %convert_element_type3A_50, %jit3A_563 : i32
    %add3A_565 = arith.constant 0 : i32
    %add3A_566 = arith.addi %add3A_565, %select_n3A_564 : i32
    %le3A_567 = arith.cmpf ole, %add3A_420, %add3A_429 : f32
    %jit3A_568 = arith.constant 0 : i32
    %select_n3A_569 = arith.select %le3A_567, %convert_element_type3A_65, %jit3A_568 : i32
    %add3A_570 = arith.addi %add3A_566, %select_n3A_569 : i32
    %le3A_571 = arith.cmpf ole, %add3A_423, %add3A_429 : f32
    %jit3A_572 = arith.constant 0 : i32
    %select_n3A_573 = arith.select %le3A_571, %convert_element_type3A_80, %jit3A_572 : i32
    %add3A_574 = arith.addi %add3A_570, %select_n3A_573 : i32
    %le3A_575 = arith.cmpf ole, %add3A_426, %add3A_429 : f32
    %jit3A_576 = arith.constant 0 : i32
    %select_n3A_577 = arith.select %le3A_575, %convert_element_type3A_95, %jit3A_576 : i32
    %add3A_578 = arith.addi %add3A_574, %select_n3A_577 : i32
    %le3A_579 = arith.cmpf ole, %add3A_429, %add3A_429 : f32
    %jit3A_580 = arith.constant 0 : i32
    %select_n3A_581 = arith.select %le3A_579, %convert_element_type3A_110, %jit3A_580 : i32
    %add3A_582 = arith.addi %add3A_578, %select_n3A_581 : i32
    %add3A_583 = arith.constant 1 : i32
    %add3A_584 = arith.addi %select_n3A_455, %add3A_583 : i32
    %ge3A_585 = arith.cmpi sge, %add3A_582, %add3A_584 : i32
    %jit3A_586 = arith.constant 0x7F800000 : f32
    %select_n3A_587 = arith.select %ge3A_585, %add3A_429, %jit3A_586 : f32
    %min3A_588 = arith.minimumf %min3A_561, %select_n3A_587 : f32
    %eq3A = arith.cmpf oeq, %add3A_417, %min3A_588 : f32
    %convert_element_type3A_589 = arith.sitofp %add3A_283 : i32 to f32
    %jit3A_590 = arith.constant 0.000000e+00 : f32
    %select_n3A_591 = arith.select %eq3A, %convert_element_type3A_589, %jit3A_590 : f32
    %add3A_592 = arith.constant 0.000000e+00 : f32
    %add3A_593 = arith.addf %add3A_592, %select_n3A_591 : f32
    %jit3A_594 = arith.constant 0.000000e+00 : f32
    %select_n3A_595 = arith.select %eq3A, %add3A_223, %jit3A_594 : f32
    %add3A_596 = arith.constant 0.000000e+00 : f32
    %add3A_597 = arith.addf %add3A_596, %select_n3A_595 : f32
    %jit3A_598 = arith.constant 0.000000e+00 : f32
    %select_n3A_599 = arith.select %eq3A, %squeeze3A_121, %jit3A_598 : f32
    %add3A_600 = arith.constant 0.000000e+00 : f32
    %add3A_601 = arith.addf %add3A_600, %select_n3A_599 : f32
    %jit3A_602 = arith.constant 0.000000e+00 : f32
    %select_n3A_603 = arith.select %eq3A, %add3A_303, %jit3A_602 : f32
    %add3A_604 = arith.constant 0.000000e+00 : f32
    %add3A_605 = arith.addf %add3A_604, %select_n3A_603 : f32
    %jit3A_606 = arith.constant 0.000000e+00 : f32
    %select_n3A_607 = arith.select %eq3A, %squeeze3A_163, %jit3A_606 : f32
    %add3A_608 = arith.constant 0.000000e+00 : f32
    %add3A_609 = arith.addf %add3A_608, %select_n3A_607 : f32
    %convert_element_type3A_610 = arith.sitofp %convert_element_type3A_50 : i32 to f32
    %jit3A_611 = arith.constant 0.000000e+00 : f32
    %select_n3A_612 = arith.select %eq3A, %convert_element_type3A_610, %jit3A_611 : f32
    %add3A_613 = arith.constant 0.000000e+00 : f32
    %add3A_614 = arith.addf %add3A_613, %select_n3A_612 : f32
    %add3A_615 = arith.constant 0.000000e+00 : f32
    %add3A_616 = arith.addf %add3A_615, %squeeze3A_121 : f32
    %eq3A_617 = arith.cmpf oeq, %add3A_420, %min3A_588 : f32
    %convert_element_type3A_618 = arith.sitofp %add3A_287 : i32 to f32
    %jit3A_619 = arith.constant 0.000000e+00 : f32
    %select_n3A_620 = arith.select %eq3A_617, %convert_element_type3A_618, %jit3A_619 : f32
    %add3A_621 = arith.addf %add3A_593, %select_n3A_620 : f32
    %jit3A_622 = arith.constant 0.000000e+00 : f32
    %select_n3A_623 = arith.select %eq3A_617, %add3A_237, %jit3A_622 : f32
    %add3A_624 = arith.addf %add3A_597, %select_n3A_623 : f32
    %jit3A_625 = arith.constant 0.000000e+00 : f32
    %select_n3A_626 = arith.select %eq3A_617, %squeeze3A_129, %jit3A_625 : f32
    %add3A_627 = arith.addf %add3A_601, %select_n3A_626 : f32
    %jit3A_628 = arith.constant 0.000000e+00 : f32
    %select_n3A_629 = arith.select %eq3A_617, %add3A_307, %jit3A_628 : f32
    %add3A_630 = arith.addf %add3A_605, %select_n3A_629 : f32
    %jit3A_631 = arith.constant 0.000000e+00 : f32
    %select_n3A_632 = arith.select %eq3A_617, %squeeze3A_173, %jit3A_631 : f32
    %add3A_633 = arith.addf %add3A_609, %select_n3A_632 : f32
    %convert_element_type3A_634 = arith.sitofp %convert_element_type3A_65 : i32 to f32
    %jit3A_635 = arith.constant 0.000000e+00 : f32
    %select_n3A_636 = arith.select %eq3A_617, %convert_element_type3A_634, %jit3A_635 : f32
    %add3A_637 = arith.addf %add3A_614, %select_n3A_636 : f32
    %add3A_638 = arith.addf %add3A_616, %squeeze3A_129 : f32
    %eq3A_639 = arith.cmpf oeq, %add3A_423, %min3A_588 : f32
    %convert_element_type3A_640 = arith.sitofp %add3A_291 : i32 to f32
    %jit3A_641 = arith.constant 0.000000e+00 : f32
    %select_n3A_642 = arith.select %eq3A_639, %convert_element_type3A_640, %jit3A_641 : f32
    %add3A_643 = arith.addf %add3A_621, %select_n3A_642 : f32
    %jit3A_644 = arith.constant 0.000000e+00 : f32
    %select_n3A_645 = arith.select %eq3A_639, %add3A_251, %jit3A_644 : f32
    %add3A_646 = arith.addf %add3A_624, %select_n3A_645 : f32
    %jit3A_647 = arith.constant 0.000000e+00 : f32
    %select_n3A_648 = arith.select %eq3A_639, %squeeze3A_137, %jit3A_647 : f32
    %add3A_649 = arith.addf %add3A_627, %select_n3A_648 : f32
    %jit3A_650 = arith.constant 0.000000e+00 : f32
    %select_n3A_651 = arith.select %eq3A_639, %add3A_311, %jit3A_650 : f32
    %add3A_652 = arith.addf %add3A_630, %select_n3A_651 : f32
    %jit3A_653 = arith.constant 0.000000e+00 : f32
    %select_n3A_654 = arith.select %eq3A_639, %squeeze3A_183, %jit3A_653 : f32
    %add3A_655 = arith.addf %add3A_633, %select_n3A_654 : f32
    %convert_element_type3A_656 = arith.sitofp %convert_element_type3A_80 : i32 to f32
    %jit3A_657 = arith.constant 0.000000e+00 : f32
    %select_n3A_658 = arith.select %eq3A_639, %convert_element_type3A_656, %jit3A_657 : f32
    %add3A_659 = arith.addf %add3A_637, %select_n3A_658 : f32
    %add3A_660 = arith.addf %add3A_638, %squeeze3A_137 : f32
    %eq3A_661 = arith.cmpf oeq, %add3A_426, %min3A_588 : f32
    %convert_element_type3A_662 = arith.sitofp %add3A_295 : i32 to f32
    %jit3A_663 = arith.constant 0.000000e+00 : f32
    %select_n3A_664 = arith.select %eq3A_661, %convert_element_type3A_662, %jit3A_663 : f32
    %add3A_665 = arith.addf %add3A_643, %select_n3A_664 : f32
    %jit3A_666 = arith.constant 0.000000e+00 : f32
    %select_n3A_667 = arith.select %eq3A_661, %add3A_265, %jit3A_666 : f32
    %add3A_668 = arith.addf %add3A_646, %select_n3A_667 : f32
    %jit3A_669 = arith.constant 0.000000e+00 : f32
    %select_n3A_670 = arith.select %eq3A_661, %squeeze3A_145, %jit3A_669 : f32
    %add3A_671 = arith.addf %add3A_649, %select_n3A_670 : f32
    %jit3A_672 = arith.constant 0.000000e+00 : f32
    %select_n3A_673 = arith.select %eq3A_661, %add3A_315, %jit3A_672 : f32
    %add3A_674 = arith.addf %add3A_652, %select_n3A_673 : f32
    %jit3A_675 = arith.constant 0.000000e+00 : f32
    %select_n3A_676 = arith.select %eq3A_661, %squeeze3A_193, %jit3A_675 : f32
    %add3A_677 = arith.addf %add3A_655, %select_n3A_676 : f32
    %convert_element_type3A_678 = arith.sitofp %convert_element_type3A_95 : i32 to f32
    %jit3A_679 = arith.constant 0.000000e+00 : f32
    %select_n3A_680 = arith.select %eq3A_661, %convert_element_type3A_678, %jit3A_679 : f32
    %add3A_681 = arith.addf %add3A_659, %select_n3A_680 : f32
    %add3A_682 = arith.addf %add3A_660, %squeeze3A_145 : f32
    %eq3A_683 = arith.cmpf oeq, %add3A_429, %min3A_588 : f32
    %convert_element_type3A_684 = arith.sitofp %add3A_299 : i32 to f32
    %jit3A_685 = arith.constant 0.000000e+00 : f32
    %select_n3A_686 = arith.select %eq3A_683, %convert_element_type3A_684, %jit3A_685 : f32
    %add3A_687 = arith.addf %add3A_665, %select_n3A_686 : f32
    %jit3A_688 = arith.constant 0.000000e+00 : f32
    %select_n3A_689 = arith.select %eq3A_683, %add3A_279, %jit3A_688 : f32
    %add3A_690 = arith.addf %add3A_668, %select_n3A_689 : f32
    %jit3A_691 = arith.constant 0.000000e+00 : f32
    %select_n3A_692 = arith.select %eq3A_683, %squeeze3A_153, %jit3A_691 : f32
    %add3A_693 = arith.addf %add3A_671, %select_n3A_692 : f32
    %jit3A_694 = arith.constant 0.000000e+00 : f32
    %select_n3A_695 = arith.select %eq3A_683, %add3A_319, %jit3A_694 : f32
    %add3A_696 = arith.addf %add3A_674, %select_n3A_695 : f32
    %jit3A_697 = arith.constant 0.000000e+00 : f32
    %select_n3A_698 = arith.select %eq3A_683, %squeeze3A_203, %jit3A_697 : f32
    %add3A_699 = arith.addf %add3A_677, %select_n3A_698 : f32
    %convert_element_type3A_700 = arith.sitofp %convert_element_type3A_110 : i32 to f32
    %jit3A_701 = arith.constant 0.000000e+00 : f32
    %select_n3A_702 = arith.select %eq3A_683, %convert_element_type3A_700, %jit3A_701 : f32
    %add3A_703 = arith.addf %add3A_681, %select_n3A_702 : f32
    %add3A_704 = arith.addf %add3A_682, %squeeze3A_153 : f32
    %convert_element_type3A_705 = arith.sitofp %add3A_433 : i32 to f32
    %sub3A_706 = arith.constant 2.621440e+05 : f32
    %sub3A_707 = arith.subf %sub3A_706, %add3A_687 : f32
    %mul3A_708 = arith.constant 0.693147182 : f32
    %mul3A_709 = arith.mulf %sub3A_707, %mul3A_708 : f32
    %add3A_710 = arith.addf %add3A_690, %mul3A_709 : f32
    %sub3A_711 = arith.subf %add3A_710, %add3A_693 : f32
    %div3A_712 = arith.constant 2.621440e+05 : f32
    %div3A_713 = arith.divf %sub3A_711, %div3A_712 : f32
    %sub3A_714 = arith.subf %convert_element_type3A_705, %add3A_703 : f32
    %mul3A_715 = arith.constant 5.000000e-01 : f32
    %mul3A_716 = arith.mulf %mul3A_715, %sub3A_714 : f32
    %add3A_717 = arith.addf %add3A_699, %mul3A_716 : f32
    %sub3A_718 = arith.constant 2.621440e+05 : f32
    %sub3A_719 = arith.subf %sub3A_718, %add3A_687 : f32
    %mul3A_720 = arith.constant 5.000000e-01 : f32
    %mul3A_721 = arith.mulf %mul3A_720, %sub3A_719 : f32
    %add3A_722 = arith.addf %add3A_696, %mul3A_721 : f32
    %mul3A_723 = arith.constant 2.000000e+00 : f32
    %mul3A_724 = arith.mulf %mul3A_723, %add3A_717 : f32
    %add3A_725 = arith.constant 1.000000e+00 : f32
    %add3A_726 = arith.addf %mul3A_724, %add3A_725 : f32
    %add3A_727 = arith.addf %add3A_722, %convert_element_type3A_705 : f32
    %add3A_728 = arith.constant 1.000000e+00 : f32
    %add3A_729 = arith.addf %add3A_727, %add3A_728 : f32
    %div3A_730 = arith.divf %add3A_726, %add3A_729 : f32
    %sub3A_731 = arith.constant 1.000000e+00 : f32
    %sub3A_732 = arith.subf %sub3A_731, %div3A_730 : f32
    %sub3A_733 = arith.subf %add3A_704, %add3A_693 : f32
    %div3A_734 = arith.divf %sub3A_733, %convert_element_type3A_705 : f32
    %add3A_735 = arith.addf %div3A_713, %sub3A_732 : f32
    %add3A_736 = arith.addf %add3A_735, %div3A_734 : f32
    %gt3A_737 = arith.constant 0 : i32
    %gt3A_738 = arith.cmpi sgt, %add3A_433, %gt3A_737 : i32
    %jit3A_739 = arith.constant 0.000000e+00 : f32
    %select_n3A_740 = arith.select %gt3A_738, %add3A_736, %jit3A_739 : f32
    %add3A_741 = arith.addf %add3A_47, %select_n3A_740 : f32
    %add3A_742 = arith.addi %convert_element_type3A_53, %convert_element_type3A_68 : i32
    %add3A_743 = arith.addi %add3A_742, %convert_element_type3A_83 : i32
    %add3A_744 = arith.addi %add3A_743, %convert_element_type3A_98 : i32
    %add3A_745 = arith.addi %add3A_744, %convert_element_type3A_113 : i32
    %sub3A_746 = arith.constant 1 : i32
    %sub3A_747 = arith.subi %add3A_745, %sub3A_746 : i32
    %jit3A_748 = arith.constant 2 : i32
    %div3A_749 = arith.divsi %sub3A_747, %jit3A_748 : i32
    %sign3A_750 = arith.constant 0 : i32
    %sign3A_751 = arith.cmpi sgt, %sub3A_747, %sign3A_750 : i32
    %sign3A_752 = arith.extui %sign3A_751 : i1 to i32
    %sign3A_753 = arith.constant 0 : i32
    %sign3A_754 = arith.cmpi slt, %sub3A_747, %sign3A_753 : i32
    %sign3A_755 = arith.extui %sign3A_754 : i1 to i32
    %sign3A_756 = arith.subi %sign3A_752, %sign3A_755 : i32
    %sign3A_757 = arith.constant 0 : i32
    %sign3A_758 = arith.cmpi sgt, %jit3A_748, %sign3A_757 : i32
    %sign3A_759 = arith.extui %sign3A_758 : i1 to i32
    %sign3A_760 = arith.constant 0 : i32
    %sign3A_761 = arith.cmpi slt, %jit3A_748, %sign3A_760 : i32
    %sign3A_762 = arith.extui %sign3A_761 : i1 to i32
    %sign3A_763 = arith.subi %sign3A_759, %sign3A_762 : i32
    %ne3A_764 = arith.cmpi ne, %sign3A_756, %sign3A_763 : i32
    %rem3A_765 = arith.remsi %sub3A_747, %jit3A_748 : i32
    %ne3A_766 = arith.constant 0 : i32
    %ne3A_767 = arith.cmpi ne, %rem3A_765, %ne3A_766 : i32
    %and3A_768 = arith.andi %ne3A_764, %ne3A_767 : i1
    %sub3A_769 = arith.constant 1 : i32
    %sub3A_770 = arith.subi %div3A_749, %sub3A_769 : i32
    %select_n3A_771 = arith.select %and3A_768, %sub3A_770, %div3A_749 : i32
    %le3A_772 = arith.cmpf ole, %add3A_417, %add3A_417 : f32
    %jit3A_773 = arith.constant 0 : i32
    %select_n3A_774 = arith.select %le3A_772, %convert_element_type3A_53, %jit3A_773 : i32
    %add3A_775 = arith.constant 0 : i32
    %add3A_776 = arith.addi %add3A_775, %select_n3A_774 : i32
    %le3A_777 = arith.cmpf ole, %add3A_420, %add3A_417 : f32
    %jit3A_778 = arith.constant 0 : i32
    %select_n3A_779 = arith.select %le3A_777, %convert_element_type3A_68, %jit3A_778 : i32
    %add3A_780 = arith.addi %add3A_776, %select_n3A_779 : i32
    %le3A_781 = arith.cmpf ole, %add3A_423, %add3A_417 : f32
    %jit3A_782 = arith.constant 0 : i32
    %select_n3A_783 = arith.select %le3A_781, %convert_element_type3A_83, %jit3A_782 : i32
    %add3A_784 = arith.addi %add3A_780, %select_n3A_783 : i32
    %le3A_785 = arith.cmpf ole, %add3A_426, %add3A_417 : f32
    %jit3A_786 = arith.constant 0 : i32
    %select_n3A_787 = arith.select %le3A_785, %convert_element_type3A_98, %jit3A_786 : i32
    %add3A_788 = arith.addi %add3A_784, %select_n3A_787 : i32
    %le3A_789 = arith.cmpf ole, %add3A_429, %add3A_417 : f32
    %jit3A_790 = arith.constant 0 : i32
    %select_n3A_791 = arith.select %le3A_789, %convert_element_type3A_113, %jit3A_790 : i32
    %add3A_792 = arith.addi %add3A_788, %select_n3A_791 : i32
    %add3A_793 = arith.constant 1 : i32
    %add3A_794 = arith.addi %select_n3A_771, %add3A_793 : i32
    %ge3A_795 = arith.cmpi sge, %add3A_792, %add3A_794 : i32
    %jit3A_796 = arith.constant 0x7F800000 : f32
    %select_n3A_797 = arith.select %ge3A_795, %add3A_417, %jit3A_796 : f32
    %min3A_798 = arith.constant 0x7F800000 : f32
    %min3A_799 = arith.minimumf %min3A_798, %select_n3A_797 : f32
    %le3A_800 = arith.cmpf ole, %add3A_417, %add3A_420 : f32
    %jit3A_801 = arith.constant 0 : i32
    %select_n3A_802 = arith.select %le3A_800, %convert_element_type3A_53, %jit3A_801 : i32
    %add3A_803 = arith.constant 0 : i32
    %add3A_804 = arith.addi %add3A_803, %select_n3A_802 : i32
    %le3A_805 = arith.cmpf ole, %add3A_420, %add3A_420 : f32
    %jit3A_806 = arith.constant 0 : i32
    %select_n3A_807 = arith.select %le3A_805, %convert_element_type3A_68, %jit3A_806 : i32
    %add3A_808 = arith.addi %add3A_804, %select_n3A_807 : i32
    %le3A_809 = arith.cmpf ole, %add3A_423, %add3A_420 : f32
    %jit3A_810 = arith.constant 0 : i32
    %select_n3A_811 = arith.select %le3A_809, %convert_element_type3A_83, %jit3A_810 : i32
    %add3A_812 = arith.addi %add3A_808, %select_n3A_811 : i32
    %le3A_813 = arith.cmpf ole, %add3A_426, %add3A_420 : f32
    %jit3A_814 = arith.constant 0 : i32
    %select_n3A_815 = arith.select %le3A_813, %convert_element_type3A_98, %jit3A_814 : i32
    %add3A_816 = arith.addi %add3A_812, %select_n3A_815 : i32
    %le3A_817 = arith.cmpf ole, %add3A_429, %add3A_420 : f32
    %jit3A_818 = arith.constant 0 : i32
    %select_n3A_819 = arith.select %le3A_817, %convert_element_type3A_113, %jit3A_818 : i32
    %add3A_820 = arith.addi %add3A_816, %select_n3A_819 : i32
    %add3A_821 = arith.constant 1 : i32
    %add3A_822 = arith.addi %select_n3A_771, %add3A_821 : i32
    %ge3A_823 = arith.cmpi sge, %add3A_820, %add3A_822 : i32
    %jit3A_824 = arith.constant 0x7F800000 : f32
    %select_n3A_825 = arith.select %ge3A_823, %add3A_420, %jit3A_824 : f32
    %min3A_826 = arith.minimumf %min3A_799, %select_n3A_825 : f32
    %le3A_827 = arith.cmpf ole, %add3A_417, %add3A_423 : f32
    %jit3A_828 = arith.constant 0 : i32
    %select_n3A_829 = arith.select %le3A_827, %convert_element_type3A_53, %jit3A_828 : i32
    %add3A_830 = arith.constant 0 : i32
    %add3A_831 = arith.addi %add3A_830, %select_n3A_829 : i32
    %le3A_832 = arith.cmpf ole, %add3A_420, %add3A_423 : f32
    %jit3A_833 = arith.constant 0 : i32
    %select_n3A_834 = arith.select %le3A_832, %convert_element_type3A_68, %jit3A_833 : i32
    %add3A_835 = arith.addi %add3A_831, %select_n3A_834 : i32
    %le3A_836 = arith.cmpf ole, %add3A_423, %add3A_423 : f32
    %jit3A_837 = arith.constant 0 : i32
    %select_n3A_838 = arith.select %le3A_836, %convert_element_type3A_83, %jit3A_837 : i32
    %add3A_839 = arith.addi %add3A_835, %select_n3A_838 : i32
    %le3A_840 = arith.cmpf ole, %add3A_426, %add3A_423 : f32
    %jit3A_841 = arith.constant 0 : i32
    %select_n3A_842 = arith.select %le3A_840, %convert_element_type3A_98, %jit3A_841 : i32
    %add3A_843 = arith.addi %add3A_839, %select_n3A_842 : i32
    %le3A_844 = arith.cmpf ole, %add3A_429, %add3A_423 : f32
    %jit3A_845 = arith.constant 0 : i32
    %select_n3A_846 = arith.select %le3A_844, %convert_element_type3A_113, %jit3A_845 : i32
    %add3A_847 = arith.addi %add3A_843, %select_n3A_846 : i32
    %add3A_848 = arith.constant 1 : i32
    %add3A_849 = arith.addi %select_n3A_771, %add3A_848 : i32
    %ge3A_850 = arith.cmpi sge, %add3A_847, %add3A_849 : i32
    %jit3A_851 = arith.constant 0x7F800000 : f32
    %select_n3A_852 = arith.select %ge3A_850, %add3A_423, %jit3A_851 : f32
    %min3A_853 = arith.minimumf %min3A_826, %select_n3A_852 : f32
    %le3A_854 = arith.cmpf ole, %add3A_417, %add3A_426 : f32
    %jit3A_855 = arith.constant 0 : i32
    %select_n3A_856 = arith.select %le3A_854, %convert_element_type3A_53, %jit3A_855 : i32
    %add3A_857 = arith.constant 0 : i32
    %add3A_858 = arith.addi %add3A_857, %select_n3A_856 : i32
    %le3A_859 = arith.cmpf ole, %add3A_420, %add3A_426 : f32
    %jit3A_860 = arith.constant 0 : i32
    %select_n3A_861 = arith.select %le3A_859, %convert_element_type3A_68, %jit3A_860 : i32
    %add3A_862 = arith.addi %add3A_858, %select_n3A_861 : i32
    %le3A_863 = arith.cmpf ole, %add3A_423, %add3A_426 : f32
    %jit3A_864 = arith.constant 0 : i32
    %select_n3A_865 = arith.select %le3A_863, %convert_element_type3A_83, %jit3A_864 : i32
    %add3A_866 = arith.addi %add3A_862, %select_n3A_865 : i32
    %le3A_867 = arith.cmpf ole, %add3A_426, %add3A_426 : f32
    %jit3A_868 = arith.constant 0 : i32
    %select_n3A_869 = arith.select %le3A_867, %convert_element_type3A_98, %jit3A_868 : i32
    %add3A_870 = arith.addi %add3A_866, %select_n3A_869 : i32
    %le3A_871 = arith.cmpf ole, %add3A_429, %add3A_426 : f32
    %jit3A_872 = arith.constant 0 : i32
    %select_n3A_873 = arith.select %le3A_871, %convert_element_type3A_113, %jit3A_872 : i32
    %add3A_874 = arith.addi %add3A_870, %select_n3A_873 : i32
    %add3A_875 = arith.constant 1 : i32
    %add3A_876 = arith.addi %select_n3A_771, %add3A_875 : i32
    %ge3A_877 = arith.cmpi sge, %add3A_874, %add3A_876 : i32
    %jit3A_878 = arith.constant 0x7F800000 : f32
    %select_n3A_879 = arith.select %ge3A_877, %add3A_426, %jit3A_878 : f32
    %min3A_880 = arith.minimumf %min3A_853, %select_n3A_879 : f32
    %le3A_881 = arith.cmpf ole, %add3A_417, %add3A_429 : f32
    %jit3A_882 = arith.constant 0 : i32
    %select_n3A_883 = arith.select %le3A_881, %convert_element_type3A_53, %jit3A_882 : i32
    %add3A_884 = arith.constant 0 : i32
    %add3A_885 = arith.addi %add3A_884, %select_n3A_883 : i32
    %le3A_886 = arith.cmpf ole, %add3A_420, %add3A_429 : f32
    %jit3A_887 = arith.constant 0 : i32
    %select_n3A_888 = arith.select %le3A_886, %convert_element_type3A_68, %jit3A_887 : i32
    %add3A_889 = arith.addi %add3A_885, %select_n3A_888 : i32
    %le3A_890 = arith.cmpf ole, %add3A_423, %add3A_429 : f32
    %jit3A_891 = arith.constant 0 : i32
    %select_n3A_892 = arith.select %le3A_890, %convert_element_type3A_83, %jit3A_891 : i32
    %add3A_893 = arith.addi %add3A_889, %select_n3A_892 : i32
    %le3A_894 = arith.cmpf ole, %add3A_426, %add3A_429 : f32
    %jit3A_895 = arith.constant 0 : i32
    %select_n3A_896 = arith.select %le3A_894, %convert_element_type3A_98, %jit3A_895 : i32
    %add3A_897 = arith.addi %add3A_893, %select_n3A_896 : i32
    %le3A_898 = arith.cmpf ole, %add3A_429, %add3A_429 : f32
    %jit3A_899 = arith.constant 0 : i32
    %select_n3A_900 = arith.select %le3A_898, %convert_element_type3A_113, %jit3A_899 : i32
    %add3A_901 = arith.addi %add3A_897, %select_n3A_900 : i32
    %add3A_902 = arith.constant 1 : i32
    %add3A_903 = arith.addi %select_n3A_771, %add3A_902 : i32
    %ge3A_904 = arith.cmpi sge, %add3A_901, %add3A_903 : i32
    %jit3A_905 = arith.constant 0x7F800000 : f32
    %select_n3A_906 = arith.select %ge3A_904, %add3A_429, %jit3A_905 : f32
    %min3A_907 = arith.minimumf %min3A_880, %select_n3A_906 : f32
    %eq3A_908 = arith.cmpf oeq, %add3A_417, %min3A_907 : f32
    %convert_element_type3A_909 = arith.sitofp %add3A_283 : i32 to f32
    %jit3A_910 = arith.constant 0.000000e+00 : f32
    %select_n3A_911 = arith.select %eq3A_908, %convert_element_type3A_909, %jit3A_910 : f32
    %add3A_912 = arith.constant 0.000000e+00 : f32
    %add3A_913 = arith.addf %add3A_912, %select_n3A_911 : f32
    %jit3A_914 = arith.constant 0.000000e+00 : f32
    %select_n3A_915 = arith.select %eq3A_908, %add3A_223, %jit3A_914 : f32
    %add3A_916 = arith.constant 0.000000e+00 : f32
    %add3A_917 = arith.addf %add3A_916, %select_n3A_915 : f32
    %jit3A_918 = arith.constant 0.000000e+00 : f32
    %select_n3A_919 = arith.select %eq3A_908, %squeeze3A_123, %jit3A_918 : f32
    %add3A_920 = arith.constant 0.000000e+00 : f32
    %add3A_921 = arith.addf %add3A_920, %select_n3A_919 : f32
    %jit3A_922 = arith.constant 0.000000e+00 : f32
    %select_n3A_923 = arith.select %eq3A_908, %add3A_303, %jit3A_922 : f32
    %add3A_924 = arith.constant 0.000000e+00 : f32
    %add3A_925 = arith.addf %add3A_924, %select_n3A_923 : f32
    %jit3A_926 = arith.constant 0.000000e+00 : f32
    %select_n3A_927 = arith.select %eq3A_908, %squeeze3A_165, %jit3A_926 : f32
    %add3A_928 = arith.constant 0.000000e+00 : f32
    %add3A_929 = arith.addf %add3A_928, %select_n3A_927 : f32
    %convert_element_type3A_930 = arith.sitofp %convert_element_type3A_53 : i32 to f32
    %jit3A_931 = arith.constant 0.000000e+00 : f32
    %select_n3A_932 = arith.select %eq3A_908, %convert_element_type3A_930, %jit3A_931 : f32
    %add3A_933 = arith.constant 0.000000e+00 : f32
    %add3A_934 = arith.addf %add3A_933, %select_n3A_932 : f32
    %add3A_935 = arith.constant 0.000000e+00 : f32
    %add3A_936 = arith.addf %add3A_935, %squeeze3A_123 : f32
    %eq3A_937 = arith.cmpf oeq, %add3A_420, %min3A_907 : f32
    %convert_element_type3A_938 = arith.sitofp %add3A_287 : i32 to f32
    %jit3A_939 = arith.constant 0.000000e+00 : f32
    %select_n3A_940 = arith.select %eq3A_937, %convert_element_type3A_938, %jit3A_939 : f32
    %add3A_941 = arith.addf %add3A_913, %select_n3A_940 : f32
    %jit3A_942 = arith.constant 0.000000e+00 : f32
    %select_n3A_943 = arith.select %eq3A_937, %add3A_237, %jit3A_942 : f32
    %add3A_944 = arith.addf %add3A_917, %select_n3A_943 : f32
    %jit3A_945 = arith.constant 0.000000e+00 : f32
    %select_n3A_946 = arith.select %eq3A_937, %squeeze3A_131, %jit3A_945 : f32
    %add3A_947 = arith.addf %add3A_921, %select_n3A_946 : f32
    %jit3A_948 = arith.constant 0.000000e+00 : f32
    %select_n3A_949 = arith.select %eq3A_937, %add3A_307, %jit3A_948 : f32
    %add3A_950 = arith.addf %add3A_925, %select_n3A_949 : f32
    %jit3A_951 = arith.constant 0.000000e+00 : f32
    %select_n3A_952 = arith.select %eq3A_937, %squeeze3A_175, %jit3A_951 : f32
    %add3A_953 = arith.addf %add3A_929, %select_n3A_952 : f32
    %convert_element_type3A_954 = arith.sitofp %convert_element_type3A_68 : i32 to f32
    %jit3A_955 = arith.constant 0.000000e+00 : f32
    %select_n3A_956 = arith.select %eq3A_937, %convert_element_type3A_954, %jit3A_955 : f32
    %add3A_957 = arith.addf %add3A_934, %select_n3A_956 : f32
    %add3A_958 = arith.addf %add3A_936, %squeeze3A_131 : f32
    %eq3A_959 = arith.cmpf oeq, %add3A_423, %min3A_907 : f32
    %convert_element_type3A_960 = arith.sitofp %add3A_291 : i32 to f32
    %jit3A_961 = arith.constant 0.000000e+00 : f32
    %select_n3A_962 = arith.select %eq3A_959, %convert_element_type3A_960, %jit3A_961 : f32
    %add3A_963 = arith.addf %add3A_941, %select_n3A_962 : f32
    %jit3A_964 = arith.constant 0.000000e+00 : f32
    %select_n3A_965 = arith.select %eq3A_959, %add3A_251, %jit3A_964 : f32
    %add3A_966 = arith.addf %add3A_944, %select_n3A_965 : f32
    %jit3A_967 = arith.constant 0.000000e+00 : f32
    %select_n3A_968 = arith.select %eq3A_959, %squeeze3A_139, %jit3A_967 : f32
    %add3A_969 = arith.addf %add3A_947, %select_n3A_968 : f32
    %jit3A_970 = arith.constant 0.000000e+00 : f32
    %select_n3A_971 = arith.select %eq3A_959, %add3A_311, %jit3A_970 : f32
    %add3A_972 = arith.addf %add3A_950, %select_n3A_971 : f32
    %jit3A_973 = arith.constant 0.000000e+00 : f32
    %select_n3A_974 = arith.select %eq3A_959, %squeeze3A_185, %jit3A_973 : f32
    %add3A_975 = arith.addf %add3A_953, %select_n3A_974 : f32
    %convert_element_type3A_976 = arith.sitofp %convert_element_type3A_83 : i32 to f32
    %jit3A_977 = arith.constant 0.000000e+00 : f32
    %select_n3A_978 = arith.select %eq3A_959, %convert_element_type3A_976, %jit3A_977 : f32
    %add3A_979 = arith.addf %add3A_957, %select_n3A_978 : f32
    %add3A_980 = arith.addf %add3A_958, %squeeze3A_139 : f32
    %eq3A_981 = arith.cmpf oeq, %add3A_426, %min3A_907 : f32
    %convert_element_type3A_982 = arith.sitofp %add3A_295 : i32 to f32
    %jit3A_983 = arith.constant 0.000000e+00 : f32
    %select_n3A_984 = arith.select %eq3A_981, %convert_element_type3A_982, %jit3A_983 : f32
    %add3A_985 = arith.addf %add3A_963, %select_n3A_984 : f32
    %jit3A_986 = arith.constant 0.000000e+00 : f32
    %select_n3A_987 = arith.select %eq3A_981, %add3A_265, %jit3A_986 : f32
    %add3A_988 = arith.addf %add3A_966, %select_n3A_987 : f32
    %jit3A_989 = arith.constant 0.000000e+00 : f32
    %select_n3A_990 = arith.select %eq3A_981, %squeeze3A_147, %jit3A_989 : f32
    %add3A_991 = arith.addf %add3A_969, %select_n3A_990 : f32
    %jit3A_992 = arith.constant 0.000000e+00 : f32
    %select_n3A_993 = arith.select %eq3A_981, %add3A_315, %jit3A_992 : f32
    %add3A_994 = arith.addf %add3A_972, %select_n3A_993 : f32
    %jit3A_995 = arith.constant 0.000000e+00 : f32
    %select_n3A_996 = arith.select %eq3A_981, %squeeze3A_195, %jit3A_995 : f32
    %add3A_997 = arith.addf %add3A_975, %select_n3A_996 : f32
    %convert_element_type3A_998 = arith.sitofp %convert_element_type3A_98 : i32 to f32
    %jit3A_999 = arith.constant 0.000000e+00 : f32
    %select_n3A_1000 = arith.select %eq3A_981, %convert_element_type3A_998, %jit3A_999 : f32
    %add3A_1001 = arith.addf %add3A_979, %select_n3A_1000 : f32
    %add3A_1002 = arith.addf %add3A_980, %squeeze3A_147 : f32
    %eq3A_1003 = arith.cmpf oeq, %add3A_429, %min3A_907 : f32
    %convert_element_type3A_1004 = arith.sitofp %add3A_299 : i32 to f32
    %jit3A_1005 = arith.constant 0.000000e+00 : f32
    %select_n3A_1006 = arith.select %eq3A_1003, %convert_element_type3A_1004, %jit3A_1005 : f32
    %add3A_1007 = arith.addf %add3A_985, %select_n3A_1006 : f32
    %jit3A_1008 = arith.constant 0.000000e+00 : f32
    %select_n3A_1009 = arith.select %eq3A_1003, %add3A_279, %jit3A_1008 : f32
    %add3A_1010 = arith.addf %add3A_988, %select_n3A_1009 : f32
    %jit3A_1011 = arith.constant 0.000000e+00 : f32
    %select_n3A_1012 = arith.select %eq3A_1003, %squeeze3A_155, %jit3A_1011 : f32
    %add3A_1013 = arith.addf %add3A_991, %select_n3A_1012 : f32
    %jit3A_1014 = arith.constant 0.000000e+00 : f32
    %select_n3A_1015 = arith.select %eq3A_1003, %add3A_319, %jit3A_1014 : f32
    %add3A_1016 = arith.addf %add3A_994, %select_n3A_1015 : f32
    %jit3A_1017 = arith.constant 0.000000e+00 : f32
    %select_n3A_1018 = arith.select %eq3A_1003, %squeeze3A_205, %jit3A_1017 : f32
    %add3A_1019 = arith.addf %add3A_997, %select_n3A_1018 : f32
    %convert_element_type3A_1020 = arith.sitofp %convert_element_type3A_113 : i32 to f32
    %jit3A_1021 = arith.constant 0.000000e+00 : f32
    %select_n3A_1022 = arith.select %eq3A_1003, %convert_element_type3A_1020, %jit3A_1021 : f32
    %add3A_1023 = arith.addf %add3A_1001, %select_n3A_1022 : f32
    %add3A_1024 = arith.addf %add3A_1002, %squeeze3A_155 : f32
    %convert_element_type3A_1025 = arith.sitofp %add3A_745 : i32 to f32
    %sub3A_1026 = arith.constant 2.621440e+05 : f32
    %sub3A_1027 = arith.subf %sub3A_1026, %add3A_1007 : f32
    %mul3A_1028 = arith.constant 0.693147182 : f32
    %mul3A_1029 = arith.mulf %sub3A_1027, %mul3A_1028 : f32
    %add3A_1030 = arith.addf %add3A_1010, %mul3A_1029 : f32
    %sub3A_1031 = arith.subf %add3A_1030, %add3A_1013 : f32
    %div3A_1032 = arith.constant 2.621440e+05 : f32
    %div3A_1033 = arith.divf %sub3A_1031, %div3A_1032 : f32
    %sub3A_1034 = arith.subf %convert_element_type3A_1025, %add3A_1023 : f32
    %mul3A_1035 = arith.constant 5.000000e-01 : f32
    %mul3A_1036 = arith.mulf %mul3A_1035, %sub3A_1034 : f32
    %add3A_1037 = arith.addf %add3A_1019, %mul3A_1036 : f32
    %sub3A_1038 = arith.constant 2.621440e+05 : f32
    %sub3A_1039 = arith.subf %sub3A_1038, %add3A_1007 : f32
    %mul3A_1040 = arith.constant 5.000000e-01 : f32
    %mul3A_1041 = arith.mulf %mul3A_1040, %sub3A_1039 : f32
    %add3A_1042 = arith.addf %add3A_1016, %mul3A_1041 : f32
    %mul3A_1043 = arith.constant 2.000000e+00 : f32
    %mul3A_1044 = arith.mulf %mul3A_1043, %add3A_1037 : f32
    %add3A_1045 = arith.constant 1.000000e+00 : f32
    %add3A_1046 = arith.addf %mul3A_1044, %add3A_1045 : f32
    %add3A_1047 = arith.addf %add3A_1042, %convert_element_type3A_1025 : f32
    %add3A_1048 = arith.constant 1.000000e+00 : f32
    %add3A_1049 = arith.addf %add3A_1047, %add3A_1048 : f32
    %div3A_1050 = arith.divf %add3A_1046, %add3A_1049 : f32
    %sub3A_1051 = arith.constant 1.000000e+00 : f32
    %sub3A_1052 = arith.subf %sub3A_1051, %div3A_1050 : f32
    %sub3A_1053 = arith.subf %add3A_1024, %add3A_1013 : f32
    %div3A_1054 = arith.divf %sub3A_1053, %convert_element_type3A_1025 : f32
    %add3A_1055 = arith.addf %div3A_1033, %sub3A_1052 : f32
    %add3A_1056 = arith.addf %add3A_1055, %div3A_1054 : f32
    %gt3A_1057 = arith.constant 0 : i32
    %gt3A_1058 = arith.cmpi sgt, %add3A_745, %gt3A_1057 : i32
    %jit3A_1059 = arith.constant 0.000000e+00 : f32
    %select_n3A_1060 = arith.select %gt3A_1058, %add3A_1056, %jit3A_1059 : f32
    %add3A_1061 = arith.addf %add3A_741, %select_n3A_1060 : f32
    %add3A_1062 = arith.addi %convert_element_type3A_56, %convert_element_type3A_71 : i32
    %add3A_1063 = arith.addi %add3A_1062, %convert_element_type3A_86 : i32
    %add3A_1064 = arith.addi %add3A_1063, %convert_element_type3A_101 : i32
    %add3A_1065 = arith.addi %add3A_1064, %convert_element_type3A_116 : i32
    %sub3A_1066 = arith.constant 1 : i32
    %sub3A_1067 = arith.subi %add3A_1065, %sub3A_1066 : i32
    %jit3A_1068 = arith.constant 2 : i32
    %div3A_1069 = arith.divsi %sub3A_1067, %jit3A_1068 : i32
    %sign3A_1070 = arith.constant 0 : i32
    %sign3A_1071 = arith.cmpi sgt, %sub3A_1067, %sign3A_1070 : i32
    %sign3A_1072 = arith.extui %sign3A_1071 : i1 to i32
    %sign3A_1073 = arith.constant 0 : i32
    %sign3A_1074 = arith.cmpi slt, %sub3A_1067, %sign3A_1073 : i32
    %sign3A_1075 = arith.extui %sign3A_1074 : i1 to i32
    %sign3A_1076 = arith.subi %sign3A_1072, %sign3A_1075 : i32
    %sign3A_1077 = arith.constant 0 : i32
    %sign3A_1078 = arith.cmpi sgt, %jit3A_1068, %sign3A_1077 : i32
    %sign3A_1079 = arith.extui %sign3A_1078 : i1 to i32
    %sign3A_1080 = arith.constant 0 : i32
    %sign3A_1081 = arith.cmpi slt, %jit3A_1068, %sign3A_1080 : i32
    %sign3A_1082 = arith.extui %sign3A_1081 : i1 to i32
    %sign3A_1083 = arith.subi %sign3A_1079, %sign3A_1082 : i32
    %ne3A_1084 = arith.cmpi ne, %sign3A_1076, %sign3A_1083 : i32
    %rem3A_1085 = arith.remsi %sub3A_1067, %jit3A_1068 : i32
    %ne3A_1086 = arith.constant 0 : i32
    %ne3A_1087 = arith.cmpi ne, %rem3A_1085, %ne3A_1086 : i32
    %and3A_1088 = arith.andi %ne3A_1084, %ne3A_1087 : i1
    %sub3A_1089 = arith.constant 1 : i32
    %sub3A_1090 = arith.subi %div3A_1069, %sub3A_1089 : i32
    %select_n3A_1091 = arith.select %and3A_1088, %sub3A_1090, %div3A_1069 : i32
    %le3A_1092 = arith.cmpf ole, %add3A_417, %add3A_417 : f32
    %jit3A_1093 = arith.constant 0 : i32
    %select_n3A_1094 = arith.select %le3A_1092, %convert_element_type3A_56, %jit3A_1093 : i32
    %add3A_1095 = arith.constant 0 : i32
    %add3A_1096 = arith.addi %add3A_1095, %select_n3A_1094 : i32
    %le3A_1097 = arith.cmpf ole, %add3A_420, %add3A_417 : f32
    %jit3A_1098 = arith.constant 0 : i32
    %select_n3A_1099 = arith.select %le3A_1097, %convert_element_type3A_71, %jit3A_1098 : i32
    %add3A_1100 = arith.addi %add3A_1096, %select_n3A_1099 : i32
    %le3A_1101 = arith.cmpf ole, %add3A_423, %add3A_417 : f32
    %jit3A_1102 = arith.constant 0 : i32
    %select_n3A_1103 = arith.select %le3A_1101, %convert_element_type3A_86, %jit3A_1102 : i32
    %add3A_1104 = arith.addi %add3A_1100, %select_n3A_1103 : i32
    %le3A_1105 = arith.cmpf ole, %add3A_426, %add3A_417 : f32
    %jit3A_1106 = arith.constant 0 : i32
    %select_n3A_1107 = arith.select %le3A_1105, %convert_element_type3A_101, %jit3A_1106 : i32
    %add3A_1108 = arith.addi %add3A_1104, %select_n3A_1107 : i32
    %le3A_1109 = arith.cmpf ole, %add3A_429, %add3A_417 : f32
    %jit3A_1110 = arith.constant 0 : i32
    %select_n3A_1111 = arith.select %le3A_1109, %convert_element_type3A_116, %jit3A_1110 : i32
    %add3A_1112 = arith.addi %add3A_1108, %select_n3A_1111 : i32
    %add3A_1113 = arith.constant 1 : i32
    %add3A_1114 = arith.addi %select_n3A_1091, %add3A_1113 : i32
    %ge3A_1115 = arith.cmpi sge, %add3A_1112, %add3A_1114 : i32
    %jit3A_1116 = arith.constant 0x7F800000 : f32
    %select_n3A_1117 = arith.select %ge3A_1115, %add3A_417, %jit3A_1116 : f32
    %min3A_1118 = arith.constant 0x7F800000 : f32
    %min3A_1119 = arith.minimumf %min3A_1118, %select_n3A_1117 : f32
    %le3A_1120 = arith.cmpf ole, %add3A_417, %add3A_420 : f32
    %jit3A_1121 = arith.constant 0 : i32
    %select_n3A_1122 = arith.select %le3A_1120, %convert_element_type3A_56, %jit3A_1121 : i32
    %add3A_1123 = arith.constant 0 : i32
    %add3A_1124 = arith.addi %add3A_1123, %select_n3A_1122 : i32
    %le3A_1125 = arith.cmpf ole, %add3A_420, %add3A_420 : f32
    %jit3A_1126 = arith.constant 0 : i32
    %select_n3A_1127 = arith.select %le3A_1125, %convert_element_type3A_71, %jit3A_1126 : i32
    %add3A_1128 = arith.addi %add3A_1124, %select_n3A_1127 : i32
    %le3A_1129 = arith.cmpf ole, %add3A_423, %add3A_420 : f32
    %jit3A_1130 = arith.constant 0 : i32
    %select_n3A_1131 = arith.select %le3A_1129, %convert_element_type3A_86, %jit3A_1130 : i32
    %add3A_1132 = arith.addi %add3A_1128, %select_n3A_1131 : i32
    %le3A_1133 = arith.cmpf ole, %add3A_426, %add3A_420 : f32
    %jit3A_1134 = arith.constant 0 : i32
    %select_n3A_1135 = arith.select %le3A_1133, %convert_element_type3A_101, %jit3A_1134 : i32
    %add3A_1136 = arith.addi %add3A_1132, %select_n3A_1135 : i32
    %le3A_1137 = arith.cmpf ole, %add3A_429, %add3A_420 : f32
    %jit3A_1138 = arith.constant 0 : i32
    %select_n3A_1139 = arith.select %le3A_1137, %convert_element_type3A_116, %jit3A_1138 : i32
    %add3A_1140 = arith.addi %add3A_1136, %select_n3A_1139 : i32
    %add3A_1141 = arith.constant 1 : i32
    %add3A_1142 = arith.addi %select_n3A_1091, %add3A_1141 : i32
    %ge3A_1143 = arith.cmpi sge, %add3A_1140, %add3A_1142 : i32
    %jit3A_1144 = arith.constant 0x7F800000 : f32
    %select_n3A_1145 = arith.select %ge3A_1143, %add3A_420, %jit3A_1144 : f32
    %min3A_1146 = arith.minimumf %min3A_1119, %select_n3A_1145 : f32
    %le3A_1147 = arith.cmpf ole, %add3A_417, %add3A_423 : f32
    %jit3A_1148 = arith.constant 0 : i32
    %select_n3A_1149 = arith.select %le3A_1147, %convert_element_type3A_56, %jit3A_1148 : i32
    %add3A_1150 = arith.constant 0 : i32
    %add3A_1151 = arith.addi %add3A_1150, %select_n3A_1149 : i32
    %le3A_1152 = arith.cmpf ole, %add3A_420, %add3A_423 : f32
    %jit3A_1153 = arith.constant 0 : i32
    %select_n3A_1154 = arith.select %le3A_1152, %convert_element_type3A_71, %jit3A_1153 : i32
    %add3A_1155 = arith.addi %add3A_1151, %select_n3A_1154 : i32
    %le3A_1156 = arith.cmpf ole, %add3A_423, %add3A_423 : f32
    %jit3A_1157 = arith.constant 0 : i32
    %select_n3A_1158 = arith.select %le3A_1156, %convert_element_type3A_86, %jit3A_1157 : i32
    %add3A_1159 = arith.addi %add3A_1155, %select_n3A_1158 : i32
    %le3A_1160 = arith.cmpf ole, %add3A_426, %add3A_423 : f32
    %jit3A_1161 = arith.constant 0 : i32
    %select_n3A_1162 = arith.select %le3A_1160, %convert_element_type3A_101, %jit3A_1161 : i32
    %add3A_1163 = arith.addi %add3A_1159, %select_n3A_1162 : i32
    %le3A_1164 = arith.cmpf ole, %add3A_429, %add3A_423 : f32
    %jit3A_1165 = arith.constant 0 : i32
    %select_n3A_1166 = arith.select %le3A_1164, %convert_element_type3A_116, %jit3A_1165 : i32
    %add3A_1167 = arith.addi %add3A_1163, %select_n3A_1166 : i32
    %add3A_1168 = arith.constant 1 : i32
    %add3A_1169 = arith.addi %select_n3A_1091, %add3A_1168 : i32
    %ge3A_1170 = arith.cmpi sge, %add3A_1167, %add3A_1169 : i32
    %jit3A_1171 = arith.constant 0x7F800000 : f32
    %select_n3A_1172 = arith.select %ge3A_1170, %add3A_423, %jit3A_1171 : f32
    %min3A_1173 = arith.minimumf %min3A_1146, %select_n3A_1172 : f32
    %le3A_1174 = arith.cmpf ole, %add3A_417, %add3A_426 : f32
    %jit3A_1175 = arith.constant 0 : i32
    %select_n3A_1176 = arith.select %le3A_1174, %convert_element_type3A_56, %jit3A_1175 : i32
    %add3A_1177 = arith.constant 0 : i32
    %add3A_1178 = arith.addi %add3A_1177, %select_n3A_1176 : i32
    %le3A_1179 = arith.cmpf ole, %add3A_420, %add3A_426 : f32
    %jit3A_1180 = arith.constant 0 : i32
    %select_n3A_1181 = arith.select %le3A_1179, %convert_element_type3A_71, %jit3A_1180 : i32
    %add3A_1182 = arith.addi %add3A_1178, %select_n3A_1181 : i32
    %le3A_1183 = arith.cmpf ole, %add3A_423, %add3A_426 : f32
    %jit3A_1184 = arith.constant 0 : i32
    %select_n3A_1185 = arith.select %le3A_1183, %convert_element_type3A_86, %jit3A_1184 : i32
    %add3A_1186 = arith.addi %add3A_1182, %select_n3A_1185 : i32
    %le3A_1187 = arith.cmpf ole, %add3A_426, %add3A_426 : f32
    %jit3A_1188 = arith.constant 0 : i32
    %select_n3A_1189 = arith.select %le3A_1187, %convert_element_type3A_101, %jit3A_1188 : i32
    %add3A_1190 = arith.addi %add3A_1186, %select_n3A_1189 : i32
    %le3A_1191 = arith.cmpf ole, %add3A_429, %add3A_426 : f32
    %jit3A_1192 = arith.constant 0 : i32
    %select_n3A_1193 = arith.select %le3A_1191, %convert_element_type3A_116, %jit3A_1192 : i32
    %add3A_1194 = arith.addi %add3A_1190, %select_n3A_1193 : i32
    %add3A_1195 = arith.constant 1 : i32
    %add3A_1196 = arith.addi %select_n3A_1091, %add3A_1195 : i32
    %ge3A_1197 = arith.cmpi sge, %add3A_1194, %add3A_1196 : i32
    %jit3A_1198 = arith.constant 0x7F800000 : f32
    %select_n3A_1199 = arith.select %ge3A_1197, %add3A_426, %jit3A_1198 : f32
    %min3A_1200 = arith.minimumf %min3A_1173, %select_n3A_1199 : f32
    %le3A_1201 = arith.cmpf ole, %add3A_417, %add3A_429 : f32
    %jit3A_1202 = arith.constant 0 : i32
    %select_n3A_1203 = arith.select %le3A_1201, %convert_element_type3A_56, %jit3A_1202 : i32
    %add3A_1204 = arith.constant 0 : i32
    %add3A_1205 = arith.addi %add3A_1204, %select_n3A_1203 : i32
    %le3A_1206 = arith.cmpf ole, %add3A_420, %add3A_429 : f32
    %jit3A_1207 = arith.constant 0 : i32
    %select_n3A_1208 = arith.select %le3A_1206, %convert_element_type3A_71, %jit3A_1207 : i32
    %add3A_1209 = arith.addi %add3A_1205, %select_n3A_1208 : i32
    %le3A_1210 = arith.cmpf ole, %add3A_423, %add3A_429 : f32
    %jit3A_1211 = arith.constant 0 : i32
    %select_n3A_1212 = arith.select %le3A_1210, %convert_element_type3A_86, %jit3A_1211 : i32
    %add3A_1213 = arith.addi %add3A_1209, %select_n3A_1212 : i32
    %le3A_1214 = arith.cmpf ole, %add3A_426, %add3A_429 : f32
    %jit3A_1215 = arith.constant 0 : i32
    %select_n3A_1216 = arith.select %le3A_1214, %convert_element_type3A_101, %jit3A_1215 : i32
    %add3A_1217 = arith.addi %add3A_1213, %select_n3A_1216 : i32
    %le3A_1218 = arith.cmpf ole, %add3A_429, %add3A_429 : f32
    %jit3A_1219 = arith.constant 0 : i32
    %select_n3A_1220 = arith.select %le3A_1218, %convert_element_type3A_116, %jit3A_1219 : i32
    %add3A_1221 = arith.addi %add3A_1217, %select_n3A_1220 : i32
    %add3A_1222 = arith.constant 1 : i32
    %add3A_1223 = arith.addi %select_n3A_1091, %add3A_1222 : i32
    %ge3A_1224 = arith.cmpi sge, %add3A_1221, %add3A_1223 : i32
    %jit3A_1225 = arith.constant 0x7F800000 : f32
    %select_n3A_1226 = arith.select %ge3A_1224, %add3A_429, %jit3A_1225 : f32
    %min3A_1227 = arith.minimumf %min3A_1200, %select_n3A_1226 : f32
    %eq3A_1228 = arith.cmpf oeq, %add3A_417, %min3A_1227 : f32
    %convert_element_type3A_1229 = arith.sitofp %add3A_283 : i32 to f32
    %jit3A_1230 = arith.constant 0.000000e+00 : f32
    %select_n3A_1231 = arith.select %eq3A_1228, %convert_element_type3A_1229, %jit3A_1230 : f32
    %add3A_1232 = arith.constant 0.000000e+00 : f32
    %add3A_1233 = arith.addf %add3A_1232, %select_n3A_1231 : f32
    %jit3A_1234 = arith.constant 0.000000e+00 : f32
    %select_n3A_1235 = arith.select %eq3A_1228, %add3A_223, %jit3A_1234 : f32
    %add3A_1236 = arith.constant 0.000000e+00 : f32
    %add3A_1237 = arith.addf %add3A_1236, %select_n3A_1235 : f32
    %jit3A_1238 = arith.constant 0.000000e+00 : f32
    %select_n3A_1239 = arith.select %eq3A_1228, %squeeze3A_125, %jit3A_1238 : f32
    %add3A_1240 = arith.constant 0.000000e+00 : f32
    %add3A_1241 = arith.addf %add3A_1240, %select_n3A_1239 : f32
    %jit3A_1242 = arith.constant 0.000000e+00 : f32
    %select_n3A_1243 = arith.select %eq3A_1228, %add3A_303, %jit3A_1242 : f32
    %add3A_1244 = arith.constant 0.000000e+00 : f32
    %add3A_1245 = arith.addf %add3A_1244, %select_n3A_1243 : f32
    %jit3A_1246 = arith.constant 0.000000e+00 : f32
    %select_n3A_1247 = arith.select %eq3A_1228, %squeeze3A_167, %jit3A_1246 : f32
    %add3A_1248 = arith.constant 0.000000e+00 : f32
    %add3A_1249 = arith.addf %add3A_1248, %select_n3A_1247 : f32
    %convert_element_type3A_1250 = arith.sitofp %convert_element_type3A_56 : i32 to f32
    %jit3A_1251 = arith.constant 0.000000e+00 : f32
    %select_n3A_1252 = arith.select %eq3A_1228, %convert_element_type3A_1250, %jit3A_1251 : f32
    %add3A_1253 = arith.constant 0.000000e+00 : f32
    %add3A_1254 = arith.addf %add3A_1253, %select_n3A_1252 : f32
    %add3A_1255 = arith.constant 0.000000e+00 : f32
    %add3A_1256 = arith.addf %add3A_1255, %squeeze3A_125 : f32
    %eq3A_1257 = arith.cmpf oeq, %add3A_420, %min3A_1227 : f32
    %convert_element_type3A_1258 = arith.sitofp %add3A_287 : i32 to f32
    %jit3A_1259 = arith.constant 0.000000e+00 : f32
    %select_n3A_1260 = arith.select %eq3A_1257, %convert_element_type3A_1258, %jit3A_1259 : f32
    %add3A_1261 = arith.addf %add3A_1233, %select_n3A_1260 : f32
    %jit3A_1262 = arith.constant 0.000000e+00 : f32
    %select_n3A_1263 = arith.select %eq3A_1257, %add3A_237, %jit3A_1262 : f32
    %add3A_1264 = arith.addf %add3A_1237, %select_n3A_1263 : f32
    %jit3A_1265 = arith.constant 0.000000e+00 : f32
    %select_n3A_1266 = arith.select %eq3A_1257, %squeeze3A_133, %jit3A_1265 : f32
    %add3A_1267 = arith.addf %add3A_1241, %select_n3A_1266 : f32
    %jit3A_1268 = arith.constant 0.000000e+00 : f32
    %select_n3A_1269 = arith.select %eq3A_1257, %add3A_307, %jit3A_1268 : f32
    %add3A_1270 = arith.addf %add3A_1245, %select_n3A_1269 : f32
    %jit3A_1271 = arith.constant 0.000000e+00 : f32
    %select_n3A_1272 = arith.select %eq3A_1257, %squeeze3A_177, %jit3A_1271 : f32
    %add3A_1273 = arith.addf %add3A_1249, %select_n3A_1272 : f32
    %convert_element_type3A_1274 = arith.sitofp %convert_element_type3A_71 : i32 to f32
    %jit3A_1275 = arith.constant 0.000000e+00 : f32
    %select_n3A_1276 = arith.select %eq3A_1257, %convert_element_type3A_1274, %jit3A_1275 : f32
    %add3A_1277 = arith.addf %add3A_1254, %select_n3A_1276 : f32
    %add3A_1278 = arith.addf %add3A_1256, %squeeze3A_133 : f32
    %eq3A_1279 = arith.cmpf oeq, %add3A_423, %min3A_1227 : f32
    %convert_element_type3A_1280 = arith.sitofp %add3A_291 : i32 to f32
    %jit3A_1281 = arith.constant 0.000000e+00 : f32
    %select_n3A_1282 = arith.select %eq3A_1279, %convert_element_type3A_1280, %jit3A_1281 : f32
    %add3A_1283 = arith.addf %add3A_1261, %select_n3A_1282 : f32
    %jit3A_1284 = arith.constant 0.000000e+00 : f32
    %select_n3A_1285 = arith.select %eq3A_1279, %add3A_251, %jit3A_1284 : f32
    %add3A_1286 = arith.addf %add3A_1264, %select_n3A_1285 : f32
    %jit3A_1287 = arith.constant 0.000000e+00 : f32
    %select_n3A_1288 = arith.select %eq3A_1279, %squeeze3A_141, %jit3A_1287 : f32
    %add3A_1289 = arith.addf %add3A_1267, %select_n3A_1288 : f32
    %jit3A_1290 = arith.constant 0.000000e+00 : f32
    %select_n3A_1291 = arith.select %eq3A_1279, %add3A_311, %jit3A_1290 : f32
    %add3A_1292 = arith.addf %add3A_1270, %select_n3A_1291 : f32
    %jit3A_1293 = arith.constant 0.000000e+00 : f32
    %select_n3A_1294 = arith.select %eq3A_1279, %squeeze3A_187, %jit3A_1293 : f32
    %add3A_1295 = arith.addf %add3A_1273, %select_n3A_1294 : f32
    %convert_element_type3A_1296 = arith.sitofp %convert_element_type3A_86 : i32 to f32
    %jit3A_1297 = arith.constant 0.000000e+00 : f32
    %select_n3A_1298 = arith.select %eq3A_1279, %convert_element_type3A_1296, %jit3A_1297 : f32
    %add3A_1299 = arith.addf %add3A_1277, %select_n3A_1298 : f32
    %add3A_1300 = arith.addf %add3A_1278, %squeeze3A_141 : f32
    %eq3A_1301 = arith.cmpf oeq, %add3A_426, %min3A_1227 : f32
    %convert_element_type3A_1302 = arith.sitofp %add3A_295 : i32 to f32
    %jit3A_1303 = arith.constant 0.000000e+00 : f32
    %select_n3A_1304 = arith.select %eq3A_1301, %convert_element_type3A_1302, %jit3A_1303 : f32
    %add3A_1305 = arith.addf %add3A_1283, %select_n3A_1304 : f32
    %jit3A_1306 = arith.constant 0.000000e+00 : f32
    %select_n3A_1307 = arith.select %eq3A_1301, %add3A_265, %jit3A_1306 : f32
    %add3A_1308 = arith.addf %add3A_1286, %select_n3A_1307 : f32
    %jit3A_1309 = arith.constant 0.000000e+00 : f32
    %select_n3A_1310 = arith.select %eq3A_1301, %squeeze3A_149, %jit3A_1309 : f32
    %add3A_1311 = arith.addf %add3A_1289, %select_n3A_1310 : f32
    %jit3A_1312 = arith.constant 0.000000e+00 : f32
    %select_n3A_1313 = arith.select %eq3A_1301, %add3A_315, %jit3A_1312 : f32
    %add3A_1314 = arith.addf %add3A_1292, %select_n3A_1313 : f32
    %jit3A_1315 = arith.constant 0.000000e+00 : f32
    %select_n3A_1316 = arith.select %eq3A_1301, %squeeze3A_197, %jit3A_1315 : f32
    %add3A_1317 = arith.addf %add3A_1295, %select_n3A_1316 : f32
    %convert_element_type3A_1318 = arith.sitofp %convert_element_type3A_101 : i32 to f32
    %jit3A_1319 = arith.constant 0.000000e+00 : f32
    %select_n3A_1320 = arith.select %eq3A_1301, %convert_element_type3A_1318, %jit3A_1319 : f32
    %add3A_1321 = arith.addf %add3A_1299, %select_n3A_1320 : f32
    %add3A_1322 = arith.addf %add3A_1300, %squeeze3A_149 : f32
    %eq3A_1323 = arith.cmpf oeq, %add3A_429, %min3A_1227 : f32
    %convert_element_type3A_1324 = arith.sitofp %add3A_299 : i32 to f32
    %jit3A_1325 = arith.constant 0.000000e+00 : f32
    %select_n3A_1326 = arith.select %eq3A_1323, %convert_element_type3A_1324, %jit3A_1325 : f32
    %add3A_1327 = arith.addf %add3A_1305, %select_n3A_1326 : f32
    %jit3A_1328 = arith.constant 0.000000e+00 : f32
    %select_n3A_1329 = arith.select %eq3A_1323, %add3A_279, %jit3A_1328 : f32
    %add3A_1330 = arith.addf %add3A_1308, %select_n3A_1329 : f32
    %jit3A_1331 = arith.constant 0.000000e+00 : f32
    %select_n3A_1332 = arith.select %eq3A_1323, %squeeze3A_157, %jit3A_1331 : f32
    %add3A_1333 = arith.addf %add3A_1311, %select_n3A_1332 : f32
    %jit3A_1334 = arith.constant 0.000000e+00 : f32
    %select_n3A_1335 = arith.select %eq3A_1323, %add3A_319, %jit3A_1334 : f32
    %add3A_1336 = arith.addf %add3A_1314, %select_n3A_1335 : f32
    %jit3A_1337 = arith.constant 0.000000e+00 : f32
    %select_n3A_1338 = arith.select %eq3A_1323, %squeeze3A_207, %jit3A_1337 : f32
    %add3A_1339 = arith.addf %add3A_1317, %select_n3A_1338 : f32
    %convert_element_type3A_1340 = arith.sitofp %convert_element_type3A_116 : i32 to f32
    %jit3A_1341 = arith.constant 0.000000e+00 : f32
    %select_n3A_1342 = arith.select %eq3A_1323, %convert_element_type3A_1340, %jit3A_1341 : f32
    %add3A_1343 = arith.addf %add3A_1321, %select_n3A_1342 : f32
    %add3A_1344 = arith.addf %add3A_1322, %squeeze3A_157 : f32
    %convert_element_type3A_1345 = arith.sitofp %add3A_1065 : i32 to f32
    %sub3A_1346 = arith.constant 2.621440e+05 : f32
    %sub3A_1347 = arith.subf %sub3A_1346, %add3A_1327 : f32
    %mul3A_1348 = arith.constant 0.693147182 : f32
    %mul3A_1349 = arith.mulf %sub3A_1347, %mul3A_1348 : f32
    %add3A_1350 = arith.addf %add3A_1330, %mul3A_1349 : f32
    %sub3A_1351 = arith.subf %add3A_1350, %add3A_1333 : f32
    %div3A_1352 = arith.constant 2.621440e+05 : f32
    %div3A_1353 = arith.divf %sub3A_1351, %div3A_1352 : f32
    %sub3A_1354 = arith.subf %convert_element_type3A_1345, %add3A_1343 : f32
    %mul3A_1355 = arith.constant 5.000000e-01 : f32
    %mul3A_1356 = arith.mulf %mul3A_1355, %sub3A_1354 : f32
    %add3A_1357 = arith.addf %add3A_1339, %mul3A_1356 : f32
    %sub3A_1358 = arith.constant 2.621440e+05 : f32
    %sub3A_1359 = arith.subf %sub3A_1358, %add3A_1327 : f32
    %mul3A_1360 = arith.constant 5.000000e-01 : f32
    %mul3A_1361 = arith.mulf %mul3A_1360, %sub3A_1359 : f32
    %add3A_1362 = arith.addf %add3A_1336, %mul3A_1361 : f32
    %mul3A_1363 = arith.constant 2.000000e+00 : f32
    %mul3A_1364 = arith.mulf %mul3A_1363, %add3A_1357 : f32
    %add3A_1365 = arith.constant 1.000000e+00 : f32
    %add3A_1366 = arith.addf %mul3A_1364, %add3A_1365 : f32
    %add3A_1367 = arith.addf %add3A_1362, %convert_element_type3A_1345 : f32
    %add3A_1368 = arith.constant 1.000000e+00 : f32
    %add3A_1369 = arith.addf %add3A_1367, %add3A_1368 : f32
    %div3A_1370 = arith.divf %add3A_1366, %add3A_1369 : f32
    %sub3A_1371 = arith.constant 1.000000e+00 : f32
    %sub3A_1372 = arith.subf %sub3A_1371, %div3A_1370 : f32
    %sub3A_1373 = arith.subf %add3A_1344, %add3A_1333 : f32
    %div3A_1374 = arith.divf %sub3A_1373, %convert_element_type3A_1345 : f32
    %add3A_1375 = arith.addf %div3A_1353, %sub3A_1372 : f32
    %add3A_1376 = arith.addf %add3A_1375, %div3A_1374 : f32
    %gt3A_1377 = arith.constant 0 : i32
    %gt3A_1378 = arith.cmpi sgt, %add3A_1065, %gt3A_1377 : i32
    %jit3A_1379 = arith.constant 0.000000e+00 : f32
    %select_n3A_1380 = arith.select %gt3A_1378, %add3A_1376, %jit3A_1379 : f32
    %add3A_1381 = arith.addf %add3A_1061, %select_n3A_1380 : f32
    %add3A_1382 = arith.addi %convert_element_type3A_59, %convert_element_type3A_74 : i32
    %add3A_1383 = arith.addi %add3A_1382, %convert_element_type3A_89 : i32
    %add3A_1384 = arith.addi %add3A_1383, %convert_element_type3A_104 : i32
    %add3A_1385 = arith.addi %add3A_1384, %convert_element_type3A_119 : i32
    %sub3A_1386 = arith.constant 1 : i32
    %sub3A_1387 = arith.subi %add3A_1385, %sub3A_1386 : i32
    %jit3A_1388 = arith.constant 2 : i32
    %div3A_1389 = arith.divsi %sub3A_1387, %jit3A_1388 : i32
    %sign3A_1390 = arith.constant 0 : i32
    %sign3A_1391 = arith.cmpi sgt, %sub3A_1387, %sign3A_1390 : i32
    %sign3A_1392 = arith.extui %sign3A_1391 : i1 to i32
    %sign3A_1393 = arith.constant 0 : i32
    %sign3A_1394 = arith.cmpi slt, %sub3A_1387, %sign3A_1393 : i32
    %sign3A_1395 = arith.extui %sign3A_1394 : i1 to i32
    %sign3A_1396 = arith.subi %sign3A_1392, %sign3A_1395 : i32
    %sign3A_1397 = arith.constant 0 : i32
    %sign3A_1398 = arith.cmpi sgt, %jit3A_1388, %sign3A_1397 : i32
    %sign3A_1399 = arith.extui %sign3A_1398 : i1 to i32
    %sign3A_1400 = arith.constant 0 : i32
    %sign3A_1401 = arith.cmpi slt, %jit3A_1388, %sign3A_1400 : i32
    %sign3A_1402 = arith.extui %sign3A_1401 : i1 to i32
    %sign3A_1403 = arith.subi %sign3A_1399, %sign3A_1402 : i32
    %ne3A_1404 = arith.cmpi ne, %sign3A_1396, %sign3A_1403 : i32
    %rem3A_1405 = arith.remsi %sub3A_1387, %jit3A_1388 : i32
    %ne3A_1406 = arith.constant 0 : i32
    %ne3A_1407 = arith.cmpi ne, %rem3A_1405, %ne3A_1406 : i32
    %and3A_1408 = arith.andi %ne3A_1404, %ne3A_1407 : i1
    %sub3A_1409 = arith.constant 1 : i32
    %sub3A_1410 = arith.subi %div3A_1389, %sub3A_1409 : i32
    %select_n3A_1411 = arith.select %and3A_1408, %sub3A_1410, %div3A_1389 : i32
    %le3A_1412 = arith.cmpf ole, %add3A_417, %add3A_417 : f32
    %jit3A_1413 = arith.constant 0 : i32
    %select_n3A_1414 = arith.select %le3A_1412, %convert_element_type3A_59, %jit3A_1413 : i32
    %add3A_1415 = arith.constant 0 : i32
    %add3A_1416 = arith.addi %add3A_1415, %select_n3A_1414 : i32
    %le3A_1417 = arith.cmpf ole, %add3A_420, %add3A_417 : f32
    %jit3A_1418 = arith.constant 0 : i32
    %select_n3A_1419 = arith.select %le3A_1417, %convert_element_type3A_74, %jit3A_1418 : i32
    %add3A_1420 = arith.addi %add3A_1416, %select_n3A_1419 : i32
    %le3A_1421 = arith.cmpf ole, %add3A_423, %add3A_417 : f32
    %jit3A_1422 = arith.constant 0 : i32
    %select_n3A_1423 = arith.select %le3A_1421, %convert_element_type3A_89, %jit3A_1422 : i32
    %add3A_1424 = arith.addi %add3A_1420, %select_n3A_1423 : i32
    %le3A_1425 = arith.cmpf ole, %add3A_426, %add3A_417 : f32
    %jit3A_1426 = arith.constant 0 : i32
    %select_n3A_1427 = arith.select %le3A_1425, %convert_element_type3A_104, %jit3A_1426 : i32
    %add3A_1428 = arith.addi %add3A_1424, %select_n3A_1427 : i32
    %le3A_1429 = arith.cmpf ole, %add3A_429, %add3A_417 : f32
    %jit3A_1430 = arith.constant 0 : i32
    %select_n3A_1431 = arith.select %le3A_1429, %convert_element_type3A_119, %jit3A_1430 : i32
    %add3A_1432 = arith.addi %add3A_1428, %select_n3A_1431 : i32
    %add3A_1433 = arith.constant 1 : i32
    %add3A_1434 = arith.addi %select_n3A_1411, %add3A_1433 : i32
    %ge3A_1435 = arith.cmpi sge, %add3A_1432, %add3A_1434 : i32
    %jit3A_1436 = arith.constant 0x7F800000 : f32
    %select_n3A_1437 = arith.select %ge3A_1435, %add3A_417, %jit3A_1436 : f32
    %min3A_1438 = arith.constant 0x7F800000 : f32
    %min3A_1439 = arith.minimumf %min3A_1438, %select_n3A_1437 : f32
    %le3A_1440 = arith.cmpf ole, %add3A_417, %add3A_420 : f32
    %jit3A_1441 = arith.constant 0 : i32
    %select_n3A_1442 = arith.select %le3A_1440, %convert_element_type3A_59, %jit3A_1441 : i32
    %add3A_1443 = arith.constant 0 : i32
    %add3A_1444 = arith.addi %add3A_1443, %select_n3A_1442 : i32
    %le3A_1445 = arith.cmpf ole, %add3A_420, %add3A_420 : f32
    %jit3A_1446 = arith.constant 0 : i32
    %select_n3A_1447 = arith.select %le3A_1445, %convert_element_type3A_74, %jit3A_1446 : i32
    %add3A_1448 = arith.addi %add3A_1444, %select_n3A_1447 : i32
    %le3A_1449 = arith.cmpf ole, %add3A_423, %add3A_420 : f32
    %jit3A_1450 = arith.constant 0 : i32
    %select_n3A_1451 = arith.select %le3A_1449, %convert_element_type3A_89, %jit3A_1450 : i32
    %add3A_1452 = arith.addi %add3A_1448, %select_n3A_1451 : i32
    %le3A_1453 = arith.cmpf ole, %add3A_426, %add3A_420 : f32
    %jit3A_1454 = arith.constant 0 : i32
    %select_n3A_1455 = arith.select %le3A_1453, %convert_element_type3A_104, %jit3A_1454 : i32
    %add3A_1456 = arith.addi %add3A_1452, %select_n3A_1455 : i32
    %le3A_1457 = arith.cmpf ole, %add3A_429, %add3A_420 : f32
    %jit3A_1458 = arith.constant 0 : i32
    %select_n3A_1459 = arith.select %le3A_1457, %convert_element_type3A_119, %jit3A_1458 : i32
    %add3A_1460 = arith.addi %add3A_1456, %select_n3A_1459 : i32
    %add3A_1461 = arith.constant 1 : i32
    %add3A_1462 = arith.addi %select_n3A_1411, %add3A_1461 : i32
    %ge3A_1463 = arith.cmpi sge, %add3A_1460, %add3A_1462 : i32
    %jit3A_1464 = arith.constant 0x7F800000 : f32
    %select_n3A_1465 = arith.select %ge3A_1463, %add3A_420, %jit3A_1464 : f32
    %min3A_1466 = arith.minimumf %min3A_1439, %select_n3A_1465 : f32
    %le3A_1467 = arith.cmpf ole, %add3A_417, %add3A_423 : f32
    %jit3A_1468 = arith.constant 0 : i32
    %select_n3A_1469 = arith.select %le3A_1467, %convert_element_type3A_59, %jit3A_1468 : i32
    %add3A_1470 = arith.constant 0 : i32
    %add3A_1471 = arith.addi %add3A_1470, %select_n3A_1469 : i32
    %le3A_1472 = arith.cmpf ole, %add3A_420, %add3A_423 : f32
    %jit3A_1473 = arith.constant 0 : i32
    %select_n3A_1474 = arith.select %le3A_1472, %convert_element_type3A_74, %jit3A_1473 : i32
    %add3A_1475 = arith.addi %add3A_1471, %select_n3A_1474 : i32
    %le3A_1476 = arith.cmpf ole, %add3A_423, %add3A_423 : f32
    %jit3A_1477 = arith.constant 0 : i32
    %select_n3A_1478 = arith.select %le3A_1476, %convert_element_type3A_89, %jit3A_1477 : i32
    %add3A_1479 = arith.addi %add3A_1475, %select_n3A_1478 : i32
    %le3A_1480 = arith.cmpf ole, %add3A_426, %add3A_423 : f32
    %jit3A_1481 = arith.constant 0 : i32
    %select_n3A_1482 = arith.select %le3A_1480, %convert_element_type3A_104, %jit3A_1481 : i32
    %add3A_1483 = arith.addi %add3A_1479, %select_n3A_1482 : i32
    %le3A_1484 = arith.cmpf ole, %add3A_429, %add3A_423 : f32
    %jit3A_1485 = arith.constant 0 : i32
    %select_n3A_1486 = arith.select %le3A_1484, %convert_element_type3A_119, %jit3A_1485 : i32
    %add3A_1487 = arith.addi %add3A_1483, %select_n3A_1486 : i32
    %add3A_1488 = arith.constant 1 : i32
    %add3A_1489 = arith.addi %select_n3A_1411, %add3A_1488 : i32
    %ge3A_1490 = arith.cmpi sge, %add3A_1487, %add3A_1489 : i32
    %jit3A_1491 = arith.constant 0x7F800000 : f32
    %select_n3A_1492 = arith.select %ge3A_1490, %add3A_423, %jit3A_1491 : f32
    %min3A_1493 = arith.minimumf %min3A_1466, %select_n3A_1492 : f32
    %le3A_1494 = arith.cmpf ole, %add3A_417, %add3A_426 : f32
    %jit3A_1495 = arith.constant 0 : i32
    %select_n3A_1496 = arith.select %le3A_1494, %convert_element_type3A_59, %jit3A_1495 : i32
    %add3A_1497 = arith.constant 0 : i32
    %add3A_1498 = arith.addi %add3A_1497, %select_n3A_1496 : i32
    %le3A_1499 = arith.cmpf ole, %add3A_420, %add3A_426 : f32
    %jit3A_1500 = arith.constant 0 : i32
    %select_n3A_1501 = arith.select %le3A_1499, %convert_element_type3A_74, %jit3A_1500 : i32
    %add3A_1502 = arith.addi %add3A_1498, %select_n3A_1501 : i32
    %le3A_1503 = arith.cmpf ole, %add3A_423, %add3A_426 : f32
    %jit3A_1504 = arith.constant 0 : i32
    %select_n3A_1505 = arith.select %le3A_1503, %convert_element_type3A_89, %jit3A_1504 : i32
    %add3A_1506 = arith.addi %add3A_1502, %select_n3A_1505 : i32
    %le3A_1507 = arith.cmpf ole, %add3A_426, %add3A_426 : f32
    %jit3A_1508 = arith.constant 0 : i32
    %select_n3A_1509 = arith.select %le3A_1507, %convert_element_type3A_104, %jit3A_1508 : i32
    %add3A_1510 = arith.addi %add3A_1506, %select_n3A_1509 : i32
    %le3A_1511 = arith.cmpf ole, %add3A_429, %add3A_426 : f32
    %jit3A_1512 = arith.constant 0 : i32
    %select_n3A_1513 = arith.select %le3A_1511, %convert_element_type3A_119, %jit3A_1512 : i32
    %add3A_1514 = arith.addi %add3A_1510, %select_n3A_1513 : i32
    %add3A_1515 = arith.constant 1 : i32
    %add3A_1516 = arith.addi %select_n3A_1411, %add3A_1515 : i32
    %ge3A_1517 = arith.cmpi sge, %add3A_1514, %add3A_1516 : i32
    %jit3A_1518 = arith.constant 0x7F800000 : f32
    %select_n3A_1519 = arith.select %ge3A_1517, %add3A_426, %jit3A_1518 : f32
    %min3A_1520 = arith.minimumf %min3A_1493, %select_n3A_1519 : f32
    %le3A_1521 = arith.cmpf ole, %add3A_417, %add3A_429 : f32
    %jit3A_1522 = arith.constant 0 : i32
    %select_n3A_1523 = arith.select %le3A_1521, %convert_element_type3A_59, %jit3A_1522 : i32
    %add3A_1524 = arith.constant 0 : i32
    %add3A_1525 = arith.addi %add3A_1524, %select_n3A_1523 : i32
    %le3A_1526 = arith.cmpf ole, %add3A_420, %add3A_429 : f32
    %jit3A_1527 = arith.constant 0 : i32
    %select_n3A_1528 = arith.select %le3A_1526, %convert_element_type3A_74, %jit3A_1527 : i32
    %add3A_1529 = arith.addi %add3A_1525, %select_n3A_1528 : i32
    %le3A_1530 = arith.cmpf ole, %add3A_423, %add3A_429 : f32
    %jit3A_1531 = arith.constant 0 : i32
    %select_n3A_1532 = arith.select %le3A_1530, %convert_element_type3A_89, %jit3A_1531 : i32
    %add3A_1533 = arith.addi %add3A_1529, %select_n3A_1532 : i32
    %le3A_1534 = arith.cmpf ole, %add3A_426, %add3A_429 : f32
    %jit3A_1535 = arith.constant 0 : i32
    %select_n3A_1536 = arith.select %le3A_1534, %convert_element_type3A_104, %jit3A_1535 : i32
    %add3A_1537 = arith.addi %add3A_1533, %select_n3A_1536 : i32
    %le3A_1538 = arith.cmpf ole, %add3A_429, %add3A_429 : f32
    %jit3A_1539 = arith.constant 0 : i32
    %select_n3A_1540 = arith.select %le3A_1538, %convert_element_type3A_119, %jit3A_1539 : i32
    %add3A_1541 = arith.addi %add3A_1537, %select_n3A_1540 : i32
    %add3A_1542 = arith.constant 1 : i32
    %add3A_1543 = arith.addi %select_n3A_1411, %add3A_1542 : i32
    %ge3A_1544 = arith.cmpi sge, %add3A_1541, %add3A_1543 : i32
    %jit3A_1545 = arith.constant 0x7F800000 : f32
    %select_n3A_1546 = arith.select %ge3A_1544, %add3A_429, %jit3A_1545 : f32
    %min3A_1547 = arith.minimumf %min3A_1520, %select_n3A_1546 : f32
    %eq3A_1548 = arith.cmpf oeq, %add3A_417, %min3A_1547 : f32
    %convert_element_type3A_1549 = arith.sitofp %add3A_283 : i32 to f32
    %jit3A_1550 = arith.constant 0.000000e+00 : f32
    %select_n3A_1551 = arith.select %eq3A_1548, %convert_element_type3A_1549, %jit3A_1550 : f32
    %add3A_1552 = arith.constant 0.000000e+00 : f32
    %add3A_1553 = arith.addf %add3A_1552, %select_n3A_1551 : f32
    %jit3A_1554 = arith.constant 0.000000e+00 : f32
    %select_n3A_1555 = arith.select %eq3A_1548, %add3A_223, %jit3A_1554 : f32
    %add3A_1556 = arith.constant 0.000000e+00 : f32
    %add3A_1557 = arith.addf %add3A_1556, %select_n3A_1555 : f32
    %jit3A_1558 = arith.constant 0.000000e+00 : f32
    %select_n3A_1559 = arith.select %eq3A_1548, %squeeze3A_127, %jit3A_1558 : f32
    %add3A_1560 = arith.constant 0.000000e+00 : f32
    %add3A_1561 = arith.addf %add3A_1560, %select_n3A_1559 : f32
    %jit3A_1562 = arith.constant 0.000000e+00 : f32
    %select_n3A_1563 = arith.select %eq3A_1548, %add3A_303, %jit3A_1562 : f32
    %add3A_1564 = arith.constant 0.000000e+00 : f32
    %add3A_1565 = arith.addf %add3A_1564, %select_n3A_1563 : f32
    %jit3A_1566 = arith.constant 0.000000e+00 : f32
    %select_n3A_1567 = arith.select %eq3A_1548, %squeeze3A_169, %jit3A_1566 : f32
    %add3A_1568 = arith.constant 0.000000e+00 : f32
    %add3A_1569 = arith.addf %add3A_1568, %select_n3A_1567 : f32
    %convert_element_type3A_1570 = arith.sitofp %convert_element_type3A_59 : i32 to f32
    %jit3A_1571 = arith.constant 0.000000e+00 : f32
    %select_n3A_1572 = arith.select %eq3A_1548, %convert_element_type3A_1570, %jit3A_1571 : f32
    %add3A_1573 = arith.constant 0.000000e+00 : f32
    %add3A_1574 = arith.addf %add3A_1573, %select_n3A_1572 : f32
    %add3A_1575 = arith.constant 0.000000e+00 : f32
    %add3A_1576 = arith.addf %add3A_1575, %squeeze3A_127 : f32
    %eq3A_1577 = arith.cmpf oeq, %add3A_420, %min3A_1547 : f32
    %convert_element_type3A_1578 = arith.sitofp %add3A_287 : i32 to f32
    %jit3A_1579 = arith.constant 0.000000e+00 : f32
    %select_n3A_1580 = arith.select %eq3A_1577, %convert_element_type3A_1578, %jit3A_1579 : f32
    %add3A_1581 = arith.addf %add3A_1553, %select_n3A_1580 : f32
    %jit3A_1582 = arith.constant 0.000000e+00 : f32
    %select_n3A_1583 = arith.select %eq3A_1577, %add3A_237, %jit3A_1582 : f32
    %add3A_1584 = arith.addf %add3A_1557, %select_n3A_1583 : f32
    %jit3A_1585 = arith.constant 0.000000e+00 : f32
    %select_n3A_1586 = arith.select %eq3A_1577, %squeeze3A_135, %jit3A_1585 : f32
    %add3A_1587 = arith.addf %add3A_1561, %select_n3A_1586 : f32
    %jit3A_1588 = arith.constant 0.000000e+00 : f32
    %select_n3A_1589 = arith.select %eq3A_1577, %add3A_307, %jit3A_1588 : f32
    %add3A_1590 = arith.addf %add3A_1565, %select_n3A_1589 : f32
    %jit3A_1591 = arith.constant 0.000000e+00 : f32
    %select_n3A_1592 = arith.select %eq3A_1577, %squeeze3A_179, %jit3A_1591 : f32
    %add3A_1593 = arith.addf %add3A_1569, %select_n3A_1592 : f32
    %convert_element_type3A_1594 = arith.sitofp %convert_element_type3A_74 : i32 to f32
    %jit3A_1595 = arith.constant 0.000000e+00 : f32
    %select_n3A_1596 = arith.select %eq3A_1577, %convert_element_type3A_1594, %jit3A_1595 : f32
    %add3A_1597 = arith.addf %add3A_1574, %select_n3A_1596 : f32
    %add3A_1598 = arith.addf %add3A_1576, %squeeze3A_135 : f32
    %eq3A_1599 = arith.cmpf oeq, %add3A_423, %min3A_1547 : f32
    %convert_element_type3A_1600 = arith.sitofp %add3A_291 : i32 to f32
    %jit3A_1601 = arith.constant 0.000000e+00 : f32
    %select_n3A_1602 = arith.select %eq3A_1599, %convert_element_type3A_1600, %jit3A_1601 : f32
    %add3A_1603 = arith.addf %add3A_1581, %select_n3A_1602 : f32
    %jit3A_1604 = arith.constant 0.000000e+00 : f32
    %select_n3A_1605 = arith.select %eq3A_1599, %add3A_251, %jit3A_1604 : f32
    %add3A_1606 = arith.addf %add3A_1584, %select_n3A_1605 : f32
    %jit3A_1607 = arith.constant 0.000000e+00 : f32
    %select_n3A_1608 = arith.select %eq3A_1599, %squeeze3A_143, %jit3A_1607 : f32
    %add3A_1609 = arith.addf %add3A_1587, %select_n3A_1608 : f32
    %jit3A_1610 = arith.constant 0.000000e+00 : f32
    %select_n3A_1611 = arith.select %eq3A_1599, %add3A_311, %jit3A_1610 : f32
    %add3A_1612 = arith.addf %add3A_1590, %select_n3A_1611 : f32
    %jit3A_1613 = arith.constant 0.000000e+00 : f32
    %select_n3A_1614 = arith.select %eq3A_1599, %squeeze3A_189, %jit3A_1613 : f32
    %add3A_1615 = arith.addf %add3A_1593, %select_n3A_1614 : f32
    %convert_element_type3A_1616 = arith.sitofp %convert_element_type3A_89 : i32 to f32
    %jit3A_1617 = arith.constant 0.000000e+00 : f32
    %select_n3A_1618 = arith.select %eq3A_1599, %convert_element_type3A_1616, %jit3A_1617 : f32
    %add3A_1619 = arith.addf %add3A_1597, %select_n3A_1618 : f32
    %add3A_1620 = arith.addf %add3A_1598, %squeeze3A_143 : f32
    %eq3A_1621 = arith.cmpf oeq, %add3A_426, %min3A_1547 : f32
    %convert_element_type3A_1622 = arith.sitofp %add3A_295 : i32 to f32
    %jit3A_1623 = arith.constant 0.000000e+00 : f32
    %select_n3A_1624 = arith.select %eq3A_1621, %convert_element_type3A_1622, %jit3A_1623 : f32
    %add3A_1625 = arith.addf %add3A_1603, %select_n3A_1624 : f32
    %jit3A_1626 = arith.constant 0.000000e+00 : f32
    %select_n3A_1627 = arith.select %eq3A_1621, %add3A_265, %jit3A_1626 : f32
    %add3A_1628 = arith.addf %add3A_1606, %select_n3A_1627 : f32
    %jit3A_1629 = arith.constant 0.000000e+00 : f32
    %select_n3A_1630 = arith.select %eq3A_1621, %squeeze3A_151, %jit3A_1629 : f32
    %add3A_1631 = arith.addf %add3A_1609, %select_n3A_1630 : f32
    %jit3A_1632 = arith.constant 0.000000e+00 : f32
    %select_n3A_1633 = arith.select %eq3A_1621, %add3A_315, %jit3A_1632 : f32
    %add3A_1634 = arith.addf %add3A_1612, %select_n3A_1633 : f32
    %jit3A_1635 = arith.constant 0.000000e+00 : f32
    %select_n3A_1636 = arith.select %eq3A_1621, %squeeze3A_199, %jit3A_1635 : f32
    %add3A_1637 = arith.addf %add3A_1615, %select_n3A_1636 : f32
    %convert_element_type3A_1638 = arith.sitofp %convert_element_type3A_104 : i32 to f32
    %jit3A_1639 = arith.constant 0.000000e+00 : f32
    %select_n3A_1640 = arith.select %eq3A_1621, %convert_element_type3A_1638, %jit3A_1639 : f32
    %add3A_1641 = arith.addf %add3A_1619, %select_n3A_1640 : f32
    %add3A_1642 = arith.addf %add3A_1620, %squeeze3A_151 : f32
    %eq3A_1643 = arith.cmpf oeq, %add3A_429, %min3A_1547 : f32
    %convert_element_type3A_1644 = arith.sitofp %add3A_299 : i32 to f32
    %jit3A_1645 = arith.constant 0.000000e+00 : f32
    %select_n3A_1646 = arith.select %eq3A_1643, %convert_element_type3A_1644, %jit3A_1645 : f32
    %add3A_1647 = arith.addf %add3A_1625, %select_n3A_1646 : f32
    %jit3A_1648 = arith.constant 0.000000e+00 : f32
    %select_n3A_1649 = arith.select %eq3A_1643, %add3A_279, %jit3A_1648 : f32
    %add3A_1650 = arith.addf %add3A_1628, %select_n3A_1649 : f32
    %jit3A_1651 = arith.constant 0.000000e+00 : f32
    %select_n3A_1652 = arith.select %eq3A_1643, %squeeze3A_159, %jit3A_1651 : f32
    %add3A_1653 = arith.addf %add3A_1631, %select_n3A_1652 : f32
    %jit3A_1654 = arith.constant 0.000000e+00 : f32
    %select_n3A_1655 = arith.select %eq3A_1643, %add3A_319, %jit3A_1654 : f32
    %add3A_1656 = arith.addf %add3A_1634, %select_n3A_1655 : f32
    %jit3A_1657 = arith.constant 0.000000e+00 : f32
    %select_n3A_1658 = arith.select %eq3A_1643, %squeeze3A_209, %jit3A_1657 : f32
    %add3A_1659 = arith.addf %add3A_1637, %select_n3A_1658 : f32
    %convert_element_type3A_1660 = arith.sitofp %convert_element_type3A_119 : i32 to f32
    %jit3A_1661 = arith.constant 0.000000e+00 : f32
    %select_n3A_1662 = arith.select %eq3A_1643, %convert_element_type3A_1660, %jit3A_1661 : f32
    %add3A_1663 = arith.addf %add3A_1641, %select_n3A_1662 : f32
    %add3A_1664 = arith.addf %add3A_1642, %squeeze3A_159 : f32
    %convert_element_type3A_1665 = arith.sitofp %add3A_1385 : i32 to f32
    %sub3A_1666 = arith.constant 2.621440e+05 : f32
    %sub3A_1667 = arith.subf %sub3A_1666, %add3A_1647 : f32
    %mul3A_1668 = arith.constant 0.693147182 : f32
    %mul3A_1669 = arith.mulf %sub3A_1667, %mul3A_1668 : f32
    %add3A_1670 = arith.addf %add3A_1650, %mul3A_1669 : f32
    %sub3A_1671 = arith.subf %add3A_1670, %add3A_1653 : f32
    %div3A_1672 = arith.constant 2.621440e+05 : f32
    %div3A_1673 = arith.divf %sub3A_1671, %div3A_1672 : f32
    %sub3A_1674 = arith.subf %convert_element_type3A_1665, %add3A_1663 : f32
    %mul3A_1675 = arith.constant 5.000000e-01 : f32
    %mul3A_1676 = arith.mulf %mul3A_1675, %sub3A_1674 : f32
    %add3A_1677 = arith.addf %add3A_1659, %mul3A_1676 : f32
    %sub3A_1678 = arith.constant 2.621440e+05 : f32
    %sub3A_1679 = arith.subf %sub3A_1678, %add3A_1647 : f32
    %mul3A_1680 = arith.constant 5.000000e-01 : f32
    %mul3A_1681 = arith.mulf %mul3A_1680, %sub3A_1679 : f32
    %add3A_1682 = arith.addf %add3A_1656, %mul3A_1681 : f32
    %mul3A_1683 = arith.constant 2.000000e+00 : f32
    %mul3A_1684 = arith.mulf %mul3A_1683, %add3A_1677 : f32
    %add3A_1685 = arith.constant 1.000000e+00 : f32
    %add3A_1686 = arith.addf %mul3A_1684, %add3A_1685 : f32
    %add3A_1687 = arith.addf %add3A_1682, %convert_element_type3A_1665 : f32
    %add3A_1688 = arith.constant 1.000000e+00 : f32
    %add3A_1689 = arith.addf %add3A_1687, %add3A_1688 : f32
    %div3A_1690 = arith.divf %add3A_1686, %add3A_1689 : f32
    %sub3A_1691 = arith.constant 1.000000e+00 : f32
    %sub3A_1692 = arith.subf %sub3A_1691, %div3A_1690 : f32
    %sub3A_1693 = arith.subf %add3A_1664, %add3A_1653 : f32
    %div3A_1694 = arith.divf %sub3A_1693, %convert_element_type3A_1665 : f32
    %add3A_1695 = arith.addf %div3A_1673, %sub3A_1692 : f32
    %add3A_1696 = arith.addf %add3A_1695, %div3A_1694 : f32
    %gt3A_1697 = arith.constant 0 : i32
    %gt3A_1698 = arith.cmpi sgt, %add3A_1385, %gt3A_1697 : i32
    %jit3A_1699 = arith.constant 0.000000e+00 : f32
    %select_n3A_1700 = arith.select %gt3A_1698, %add3A_1696, %jit3A_1699 : f32
    %add3A_1701 = arith.addf %add3A_1381, %select_n3A_1700 : f32
    %add3A_1702 = arith.addi %convert_element_type3A, %convert_element_type3A_62 : i32
    %add3A_1703 = arith.addi %add3A_1702, %convert_element_type3A_77 : i32
    %add3A_1704 = arith.addi %add3A_1703, %convert_element_type3A_92 : i32
    %add3A_1705 = arith.addi %add3A_1704, %convert_element_type3A_107 : i32
    %gt3A_1706 = arith.constant 0 : i32
    %gt3A_1707 = arith.cmpi sgt, %add3A_1705, %gt3A_1706 : i32
    %convert_element_type3A_1708 = arith.extui %gt3A_1707 : i1 to i32
    %add3A_1709 = arith.constant 0 : i32
    %add3A_1710 = arith.addi %add3A_1709, %convert_element_type3A_1708 : i32
    %add3A_1711 = arith.addi %convert_element_type3A_50, %convert_element_type3A_65 : i32
    %add3A_1712 = arith.addi %add3A_1711, %convert_element_type3A_80 : i32
    %add3A_1713 = arith.addi %add3A_1712, %convert_element_type3A_95 : i32
    %add3A_1714 = arith.addi %add3A_1713, %convert_element_type3A_110 : i32
    %gt3A_1715 = arith.constant 0 : i32
    %gt3A_1716 = arith.cmpi sgt, %add3A_1714, %gt3A_1715 : i32
    %convert_element_type3A_1717 = arith.extui %gt3A_1716 : i1 to i32
    %add3A_1718 = arith.addi %add3A_1710, %convert_element_type3A_1717 : i32
    %add3A_1719 = arith.addi %convert_element_type3A_53, %convert_element_type3A_68 : i32
    %add3A_1720 = arith.addi %add3A_1719, %convert_element_type3A_83 : i32
    %add3A_1721 = arith.addi %add3A_1720, %convert_element_type3A_98 : i32
    %add3A_1722 = arith.addi %add3A_1721, %convert_element_type3A_113 : i32
    %gt3A_1723 = arith.constant 0 : i32
    %gt3A_1724 = arith.cmpi sgt, %add3A_1722, %gt3A_1723 : i32
    %convert_element_type3A_1725 = arith.extui %gt3A_1724 : i1 to i32
    %add3A_1726 = arith.addi %add3A_1718, %convert_element_type3A_1725 : i32
    %add3A_1727 = arith.addi %convert_element_type3A_56, %convert_element_type3A_71 : i32
    %add3A_1728 = arith.addi %add3A_1727, %convert_element_type3A_86 : i32
    %add3A_1729 = arith.addi %add3A_1728, %convert_element_type3A_101 : i32
    %add3A_1730 = arith.addi %add3A_1729, %convert_element_type3A_116 : i32
    %gt3A_1731 = arith.constant 0 : i32
    %gt3A_1732 = arith.cmpi sgt, %add3A_1730, %gt3A_1731 : i32
    %convert_element_type3A_1733 = arith.extui %gt3A_1732 : i1 to i32
    %add3A_1734 = arith.addi %add3A_1726, %convert_element_type3A_1733 : i32
    %add3A_1735 = arith.addi %convert_element_type3A_59, %convert_element_type3A_74 : i32
    %add3A_1736 = arith.addi %add3A_1735, %convert_element_type3A_89 : i32
    %add3A_1737 = arith.addi %add3A_1736, %convert_element_type3A_104 : i32
    %add3A_1738 = arith.addi %add3A_1737, %convert_element_type3A_119 : i32
    %gt3A_1739 = arith.constant 0 : i32
    %gt3A_1740 = arith.cmpi sgt, %add3A_1738, %gt3A_1739 : i32
    %convert_element_type3A_1741 = arith.extui %gt3A_1740 : i1 to i32
    %add3A_1742 = arith.addi %add3A_1734, %convert_element_type3A_1741 : i32
    %mul3A_1743 = arith.constant 2 : i32
    %mul3A_1744 = arith.muli %add3A_1742, %mul3A_1743 : i32
    %add3A_1745 = arith.constant 1 : i32
    %add3A_1746 = arith.addi %mul3A_1744, %add3A_1745 : i32
    %convert_element_type3A_1747 = arith.sitofp %add3A_1746 : i32 to f32
    %div3A_1748 = arith.divf %add3A_1701, %convert_element_type3A_1747 : f32
    %swap3A = arith.constant 0 : index
    %swap3A_1749 = arith.constant 0 : index
    %swap3A_1750 = memref.load %arg3[%swap3A, %swap3A_1749] : memref<1x1xf32, #tpu.memory_space<smem>>
    memref.store %div3A_1748, %arg3[%swap3A, %swap3A_1749] : memref<1x1xf32, #tpu.memory_space<smem>>
    return
  }
}

module attributes {stable_mosaic.version = 14 : i64} {
  func.func @_prep_kernel(%arg0: memref<5x512x512xf32, #tpu.memory_space<vmem>>, %arg1: memref<512x512xi32, #tpu.memory_space<vmem>>, %arg2: memref<512x512xi32, #tpu.memory_space<vmem>>, %arg3: memref<512x512xf32, #tpu.memory_space<vmem>>, %arg4: memref<512x512xf32, #tpu.memory_space<vmem>>, %arg5: memref<1x4xf32, #tpu.memory_space<smem>>) attributes {dimension_semantics = [], scalar_prefetch = 0 : i64, scratch_operands = 0 : i64, tpu.core_type = #tpu.core_type<tc>} {
    %get3A = arith.constant 0 : index
    %get3A_0 = arith.constant 0 : index
    %get3A_1 = arith.constant 0 : index
    %get3A_2 = vector.load %arg0[%get3A, %get3A_0, %get3A_1] : memref<5x512x512xf32, #tpu.memory_space<vmem>>, vector<1x512x512xf32>
    %get3A_3 = vector.shape_cast %get3A_2 : vector<1x512x512xf32> to vector<512x512xf32>
    %broadcast_in_dim3A = arith.constant 0 : i32
    %broadcast_in_dim3A_4 = vector.broadcast %broadcast_in_dim3A : i32 to vector<512x512xi32>
    %get3A_5 = arith.constant 1 : index
    %get3A_6 = arith.constant 0 : index
    %get3A_7 = arith.constant 0 : index
    %get3A_8 = vector.load %arg0[%get3A_5, %get3A_6, %get3A_7] : memref<5x512x512xf32, #tpu.memory_space<vmem>>, vector<1x512x512xf32>
    %get3A_9 = vector.shape_cast %get3A_8 : vector<1x512x512xf32> to vector<512x512xf32>
    %gt3A = arith.cmpf ogt, %get3A_9, %get3A_3 : vector<512x512xf32>
    %select_n3A = arith.select %gt3A, %get3A_9, %get3A_3 : vector<512x512xi1>, vector<512x512xf32>
    %jit3A = arith.constant 1 : i32
    %broadcast_in_dim3A_10 = vector.broadcast %jit3A : i32 to vector<512x512xi32>
    %select_n3A_11 = arith.select %gt3A, %broadcast_in_dim3A_10, %broadcast_in_dim3A_4 : vector<512x512xi1>, vector<512x512xi32>
    %get3A_12 = arith.constant 2 : index
    %get3A_13 = arith.constant 0 : index
    %get3A_14 = arith.constant 0 : index
    %get3A_15 = vector.load %arg0[%get3A_12, %get3A_13, %get3A_14] : memref<5x512x512xf32, #tpu.memory_space<vmem>>, vector<1x512x512xf32>
    %get3A_16 = vector.shape_cast %get3A_15 : vector<1x512x512xf32> to vector<512x512xf32>
    %gt3A_17 = arith.cmpf ogt, %get3A_16, %select_n3A : vector<512x512xf32>
    %select_n3A_18 = arith.select %gt3A_17, %get3A_16, %select_n3A : vector<512x512xi1>, vector<512x512xf32>
    %jit3A_19 = arith.constant 2 : i32
    %broadcast_in_dim3A_20 = vector.broadcast %jit3A_19 : i32 to vector<512x512xi32>
    %select_n3A_21 = arith.select %gt3A_17, %broadcast_in_dim3A_20, %select_n3A_11 : vector<512x512xi1>, vector<512x512xi32>
    %get3A_22 = arith.constant 3 : index
    %get3A_23 = arith.constant 0 : index
    %get3A_24 = arith.constant 0 : index
    %get3A_25 = vector.load %arg0[%get3A_22, %get3A_23, %get3A_24] : memref<5x512x512xf32, #tpu.memory_space<vmem>>, vector<1x512x512xf32>
    %get3A_26 = vector.shape_cast %get3A_25 : vector<1x512x512xf32> to vector<512x512xf32>
    %gt3A_27 = arith.cmpf ogt, %get3A_26, %select_n3A_18 : vector<512x512xf32>
    %select_n3A_28 = arith.select %gt3A_27, %get3A_26, %select_n3A_18 : vector<512x512xi1>, vector<512x512xf32>
    %jit3A_29 = arith.constant 3 : i32
    %broadcast_in_dim3A_30 = vector.broadcast %jit3A_29 : i32 to vector<512x512xi32>
    %select_n3A_31 = arith.select %gt3A_27, %broadcast_in_dim3A_30, %select_n3A_21 : vector<512x512xi1>, vector<512x512xi32>
    %get3A_32 = arith.constant 4 : index
    %get3A_33 = arith.constant 0 : index
    %get3A_34 = arith.constant 0 : index
    %get3A_35 = vector.load %arg0[%get3A_32, %get3A_33, %get3A_34] : memref<5x512x512xf32, #tpu.memory_space<vmem>>, vector<1x512x512xf32>
    %get3A_36 = vector.shape_cast %get3A_35 : vector<1x512x512xf32> to vector<512x512xf32>
    %gt3A_37 = arith.cmpf ogt, %get3A_36, %select_n3A_28 : vector<512x512xf32>
    %select_n3A_38 = arith.select %gt3A_37, %get3A_36, %select_n3A_28 : vector<512x512xi1>, vector<512x512xf32>
    %jit3A_39 = arith.constant 4 : i32
    %broadcast_in_dim3A_40 = vector.broadcast %jit3A_39 : i32 to vector<512x512xi32>
    %select_n3A_41 = arith.select %gt3A_37, %broadcast_in_dim3A_40, %select_n3A_31 : vector<512x512xi1>, vector<512x512xi32>
    %gt3A_42 = arith.constant 0 : i32
    %gt3A_43 = vector.broadcast %gt3A_42 : i32 to vector<512x512xi32>
    %gt3A_44 = arith.cmpi sgt, %select_n3A_41, %gt3A_43 : vector<512x512xi32>
    %jit3A_45 = arith.constant 0.000000e+00 : f32
    %broadcast_in_dim3A_46 = vector.broadcast %jit3A_45 : f32 to vector<512x512xf32>
    %select_n3A_47 = arith.select %gt3A_44, %select_n3A_38, %broadcast_in_dim3A_46 : vector<512x512xi1>, vector<512x512xf32>
    %max3A = arith.constant 0.000000e+00 : f32
    %max3A_48 = vector.broadcast %max3A : f32 to vector<512x512xf32>
    %max3A_49 = arith.maximumf %select_n3A_47, %max3A_48 : vector<512x512xf32>
    %abs3A = math.absf %select_n3A_47 : vector<512x512xf32>
    %neg3A = arith.constant 0.000000e+00 : f32
    %neg3A_50 = vector.broadcast %neg3A : f32 to vector<512x512xf32>
    %neg3A_51 = arith.subf %neg3A_50, %abs3A : vector<512x512xf32>
    %exp3A = math.exp %neg3A_51 : vector<512x512xf32>
    %log1p3A = math.log1p %exp3A : vector<512x512xf32>
    %add3A = arith.addf %max3A_49, %log1p3A : vector<512x512xf32>
    %swap3A = arith.constant 0 : index
    %swap3A_52 = arith.constant 0 : index
    %swap3A_53 = vector.load %arg2[%swap3A, %swap3A_52] : memref<512x512xi32, #tpu.memory_space<vmem>>, vector<512x512xi32>
    tpu.vector_store %arg2[%swap3A, %swap3A_52], %select_n3A_41 {strides = array<i32>} : memref<512x512xi32, #tpu.memory_space<vmem>>, vector<512x512xi32>,
    %swap3A_54 = arith.constant 0 : index
    %swap3A_55 = arith.constant 0 : index
    %swap3A_56 = vector.load %arg3[%swap3A_54, %swap3A_55] : memref<512x512xf32, #tpu.memory_space<vmem>>, vector<512x512xf32>
    tpu.vector_store %arg3[%swap3A_54, %swap3A_55], %select_n3A_47 {strides = array<i32>} : memref<512x512xf32, #tpu.memory_space<vmem>>, vector<512x512xf32>,
    %swap3A_57 = arith.constant 0 : index
    %swap3A_58 = arith.constant 0 : index
    %swap3A_59 = vector.load %arg4[%swap3A_57, %swap3A_58] : memref<512x512xf32, #tpu.memory_space<vmem>>, vector<512x512xf32>
    tpu.vector_store %arg4[%swap3A_57, %swap3A_58], %add3A {strides = array<i32>} : memref<512x512xf32, #tpu.memory_space<vmem>>, vector<512x512xf32>,
    %get3A_60 = arith.constant 0 : index
    %get3A_61 = arith.constant 0 : index
    %get3A_62 = vector.load %arg1[%get3A_60, %get3A_61] : memref<512x512xi32, #tpu.memory_space<vmem>>, vector<512x512xi32>
    %reduce_max3A = arith.constant dense<-2147483648> : vector<512xi32>
    %reduce_max3A_63 = vector.multi_reduction <maxsi>, %select_n3A_41, %reduce_max3A [0] : vector<512x512xi32> to vector<512xi32>
    %broadcast_in_dim3A_64 = vector.shape_cast %reduce_max3A_63 : vector<512xi32> to vector<1x512xi32>
    %eq3A = arith.constant 0 : i32
    %eq3A_65 = vector.broadcast %eq3A : i32 to vector<1x512xi32>
    %eq3A_66 = arith.cmpi eq, %broadcast_in_dim3A_64, %eq3A_65 : vector<1x512xi32>
    %eq3A_67 = arith.constant 0 : i32
    %eq3A_68 = vector.broadcast %eq3A_67 : i32 to vector<512x512xi32>
    %eq3A_69 = arith.cmpi eq, %get3A_62, %eq3A_68 : vector<512x512xi32>
    %convert_element_type3A = arith.extui %eq3A_66 : vector<1x512xi1> to vector<1x512xi32>
    %convert_element_type3A_70 = arith.sitofp %convert_element_type3A : vector<1x512xi32> to vector<1x512xf32>
    %reduce_sum3A = vector.shape_cast %convert_element_type3A_70 : vector<1x512xf32> to vector<1x1x512xf32>
    %reduce_sum3A_71 = arith.constant dense<0.000000e+00> : vector<1xf32>
    %reduce_sum3A_72 = vector.multi_reduction <add>, %reduce_sum3A, %reduce_sum3A_71 [1, 2] : vector<1x1x512xf32> to vector<1xf32>
    %reduce_sum3A_73 = vector.shape_cast %reduce_sum3A_72 : vector<1xf32> to vector<1x1x1xf32>
    %reduce_sum3A_74 = vector.extract %reduce_sum3A_73[0, 0, 0] : f32 from vector<1x1x1xf32>
    %swap3A_75 = arith.constant 0 : index
    %swap3A_76 = arith.constant 0 : index
    %swap3A_77 = memref.load %arg5[%swap3A_75, %swap3A_76] : memref<1x4xf32, #tpu.memory_space<smem>>
    memref.store %reduce_sum3A_74, %arg5[%swap3A_75, %swap3A_76] : memref<1x4xf32, #tpu.memory_space<smem>>
    %and3A = vector.broadcast %eq3A_66 : vector<1x512xi1> to vector<512x512xi1>
    %and3A_78 = arith.andi %and3A, %eq3A_69 : vector<512x512xi1>
    %jit3A_79 = arith.constant 1.000000e+00 : f32
    %jit3A_80 = arith.constant 0.000000e+00 : f32
    %broadcast_in_dim3A_81 = vector.broadcast %jit3A_79 : f32 to vector<512x512xf32>
    %broadcast_in_dim3A_82 = vector.broadcast %jit3A_80 : f32 to vector<512x512xf32>
    %select_n3A_83 = arith.select %and3A_78, %broadcast_in_dim3A_81, %broadcast_in_dim3A_82 : vector<512x512xi1>, vector<512x512xf32>
    %reduce_sum3A_84 = vector.shape_cast %select_n3A_83 : vector<512x512xf32> to vector<1x512x512xf32>
    %reduce_sum3A_85 = arith.constant dense<0.000000e+00> : vector<1xf32>
    %reduce_sum3A_86 = vector.multi_reduction <add>, %reduce_sum3A_84, %reduce_sum3A_85 [1, 2] : vector<1x512x512xf32> to vector<1xf32>
    %reduce_sum3A_87 = vector.shape_cast %reduce_sum3A_86 : vector<1xf32> to vector<1x1x1xf32>
    %reduce_sum3A_88 = vector.extract %reduce_sum3A_87[0, 0, 0] : f32 from vector<1x1x1xf32>
    %swap3A_89 = arith.constant 0 : index
    %swap3A_90 = arith.constant 1 : index
    %swap3A_91 = memref.load %arg5[%swap3A_89, %swap3A_90] : memref<1x4xf32, #tpu.memory_space<smem>>
    memref.store %reduce_sum3A_88, %arg5[%swap3A_89, %swap3A_90] : memref<1x4xf32, #tpu.memory_space<smem>>
    %convert_element_type3A_92 = arith.extui %eq3A_69 : vector<512x512xi1> to vector<512x512xi32>
    %convert_element_type3A_93 = arith.sitofp %convert_element_type3A_92 : vector<512x512xi32> to vector<512x512xf32>
    %reduce_sum3A_94 = vector.shape_cast %convert_element_type3A_93 : vector<512x512xf32> to vector<1x512x512xf32>
    %reduce_sum3A_95 = arith.constant dense<0.000000e+00> : vector<1xf32>
    %reduce_sum3A_96 = vector.multi_reduction <add>, %reduce_sum3A_94, %reduce_sum3A_95 [1, 2] : vector<1x512x512xf32> to vector<1xf32>
    %reduce_sum3A_97 = vector.shape_cast %reduce_sum3A_96 : vector<1xf32> to vector<1x1x1xf32>
    %reduce_sum3A_98 = vector.extract %reduce_sum3A_97[0, 0, 0] : f32 from vector<1x1x1xf32>
    %swap3A_99 = arith.constant 0 : index
    %swap3A_100 = arith.constant 2 : index
    %swap3A_101 = memref.load %arg5[%swap3A_99, %swap3A_100] : memref<1x4xf32, #tpu.memory_space<smem>>
    memref.store %reduce_sum3A_98, %arg5[%swap3A_99, %swap3A_100] : memref<1x4xf32, #tpu.memory_space<smem>>
    return
  }
}

module attributes {stable_mosaic.version = 14 : i64} {
  func.func @_ccl_kernel(%arg0: memref<512x512xi32, #tpu.memory_space<vmem>>, %arg1: memref<1x4xi32, #tpu.memory_space<smem>>) attributes {dimension_semantics = [], scalar_prefetch = 0 : i64, scratch_operands = 0 : i64, tpu.core_type = #tpu.core_type<tc>} {
    %get3A = arith.constant 0 : index
    %get3A_0 = arith.constant 0 : index
    %get3A_1 = vector.load %arg0[%get3A, %get3A_0] : memref<512x512xi32, #tpu.memory_space<vmem>>, vector<512x512xi32>
    %iota3A = tpu.iota {dimensions = array<i32: 0>} : vector<512x512xi32>
    %iota3A_2 = tpu.iota {dimensions = array<i32: 1>} : vector<512x512xi32>
    %mul3A = arith.constant 512 : i32
    %mul3A_3 = vector.broadcast %mul3A : i32 to vector<512x512xi32>
    %mul3A_4 = arith.muli %iota3A, %mul3A_3 : vector<512x512xi32>
    %add3A = arith.addi %mul3A_4, %iota3A_2 : vector<512x512xi32>
    %add3A_5 = arith.constant 1 : i32
    %add3A_6 = vector.broadcast %add3A_5 : i32 to vector<512x512xi32>
    %add3A_7 = arith.addi %add3A, %add3A_6 : vector<512x512xi32>
    %gt3A = arith.constant 0 : i32
    %gt3A_8 = vector.broadcast %gt3A : i32 to vector<512x512xi32>
    %gt3A_9 = arith.cmpi sgt, %get3A_1, %gt3A_8 : vector<512x512xi32>
    %jit3A = arith.constant 0 : i32
    %broadcast_in_dim3A = vector.broadcast %jit3A : i32 to vector<512x512xi32>
    %select_n3A = arith.select %gt3A_9, %add3A_7, %broadcast_in_dim3A : vector<512x512xi1>, vector<512x512xi32>
    %eq3A = arith.constant 0 : i32
    %eq3A_10 = vector.broadcast %eq3A : i32 to vector<512x512xi32>
    %eq3A_11 = arith.cmpi eq, %iota3A, %eq3A_10 : vector<512x512xi32>
    %slice3A = vector.extract_strided_slice %get3A_1 {offsets = [511, 0], sizes = [1, 512], strides = [1, 1]} : vector<512x512xi32> to vector<1x512xi32>
    %slice3A_12 = vector.extract_strided_slice %get3A_1 {offsets = [0, 0], sizes = [511, 512], strides = [1, 1]} : vector<512x512xi32> to vector<511x512xi32>
    %concatenate3A = tpu.concatenate %slice3A, %slice3A_12 in 0 : vector<1x512xi32>, vector<511x512xi32> -> vector<512x512xi32>
    %jit3A_13 = arith.constant -1 : i32
    %broadcast_in_dim3A_14 = vector.broadcast %jit3A_13 : i32 to vector<512x512xi32>
    %select_n3A_15 = arith.select %eq3A_11, %broadcast_in_dim3A_14, %concatenate3A : vector<512x512xi1>, vector<512x512xi32>
    %eq3A_16 = arith.cmpi eq, %select_n3A_15, %get3A_1 : vector<512x512xi32>
    %eq3A_17 = arith.constant 511 : i32
    %eq3A_18 = vector.broadcast %eq3A_17 : i32 to vector<512x512xi32>
    %eq3A_19 = arith.cmpi eq, %iota3A, %eq3A_18 : vector<512x512xi32>
    %slice3A_20 = vector.extract_strided_slice %get3A_1 {offsets = [1, 0], sizes = [511, 512], strides = [1, 1]} : vector<512x512xi32> to vector<511x512xi32>
    %slice3A_21 = vector.extract_strided_slice %get3A_1 {offsets = [0, 0], sizes = [1, 512], strides = [1, 1]} : vector<512x512xi32> to vector<1x512xi32>
    %concatenate3A_22 = tpu.concatenate %slice3A_20, %slice3A_21 in 0 : vector<511x512xi32>, vector<1x512xi32> -> vector<512x512xi32>
    %jit3A_23 = arith.constant -1 : i32
    %broadcast_in_dim3A_24 = vector.broadcast %jit3A_23 : i32 to vector<512x512xi32>
    %select_n3A_25 = arith.select %eq3A_19, %broadcast_in_dim3A_24, %concatenate3A_22 : vector<512x512xi1>, vector<512x512xi32>
    %eq3A_26 = arith.cmpi eq, %select_n3A_25, %get3A_1 : vector<512x512xi32>
    %eq3A_27 = arith.constant 0 : i32
    %eq3A_28 = vector.broadcast %eq3A_27 : i32 to vector<512x512xi32>
    %eq3A_29 = arith.cmpi eq, %iota3A_2, %eq3A_28 : vector<512x512xi32>
    %slice3A_30 = vector.extract_strided_slice %get3A_1 {offsets = [0, 511], sizes = [512, 1], strides = [1, 1]} : vector<512x512xi32> to vector<512x1xi32>
    %slice3A_31 = vector.extract_strided_slice %get3A_1 {offsets = [0, 0], sizes = [512, 511], strides = [1, 1]} : vector<512x512xi32> to vector<512x511xi32>
    %concatenate3A_32 = tpu.concatenate %slice3A_30, %slice3A_31 in 1 : vector<512x1xi32>, vector<512x511xi32> -> vector<512x512xi32>
    %jit3A_33 = arith.constant -1 : i32
    %broadcast_in_dim3A_34 = vector.broadcast %jit3A_33 : i32 to vector<512x512xi32>
    %select_n3A_35 = arith.select %eq3A_29, %broadcast_in_dim3A_34, %concatenate3A_32 : vector<512x512xi1>, vector<512x512xi32>
    %eq3A_36 = arith.cmpi eq, %select_n3A_35, %get3A_1 : vector<512x512xi32>
    %eq3A_37 = arith.constant 511 : i32
    %eq3A_38 = vector.broadcast %eq3A_37 : i32 to vector<512x512xi32>
    %eq3A_39 = arith.cmpi eq, %iota3A_2, %eq3A_38 : vector<512x512xi32>
    %slice3A_40 = vector.extract_strided_slice %get3A_1 {offsets = [0, 1], sizes = [512, 511], strides = [1, 1]} : vector<512x512xi32> to vector<512x511xi32>
    %slice3A_41 = vector.extract_strided_slice %get3A_1 {offsets = [0, 0], sizes = [512, 1], strides = [1, 1]} : vector<512x512xi32> to vector<512x1xi32>
    %concatenate3A_42 = tpu.concatenate %slice3A_40, %slice3A_41 in 1 : vector<512x511xi32>, vector<512x1xi32> -> vector<512x512xi32>
    %jit3A_43 = arith.constant -1 : i32
    %broadcast_in_dim3A_44 = vector.broadcast %jit3A_43 : i32 to vector<512x512xi32>
    %select_n3A_45 = arith.select %eq3A_39, %broadcast_in_dim3A_44, %concatenate3A_42 : vector<512x512xi1>, vector<512x512xi32>
    %eq3A_46 = arith.cmpi eq, %select_n3A_45, %get3A_1 : vector<512x512xi32>
    %while3A = arith.constant true
    %while3A_47:2 = scf.while (%while3A_97 = %select_n3A, %while3A_98 = %while3A) : (vector<512x512xi32>, i1) -> (vector<512x512xi32>, i1) {
      scf.condition(%while3A_98) %while3A_97, %while3A_98 : vector<512x512xi32>, i1
    } do {
    ^bb0(%while3A_97: vector<512x512xi32>, %while3A_98: i1):
      %slice3A_99 = vector.extract_strided_slice %while3A_97 {offsets = [511, 0], sizes = [1, 512], strides = [1, 1]} : vector<512x512xi32> to vector<1x512xi32>
      %slice3A_100 = vector.extract_strided_slice %while3A_97 {offsets = [0, 0], sizes = [511, 512], strides = [1, 1]} : vector<512x512xi32> to vector<511x512xi32>
      %concatenate3A_101 = tpu.concatenate %slice3A_99, %slice3A_100 in 0 : vector<1x512xi32>, vector<511x512xi32> -> vector<512x512xi32>
      %jit3A_102 = arith.constant 0 : i32
      %broadcast_in_dim3A_103 = vector.broadcast %jit3A_102 : i32 to vector<512x512xi32>
      %select_n3A_104 = arith.select %eq3A_16, %concatenate3A_101, %broadcast_in_dim3A_103 : vector<512x512xi1>, vector<512x512xi32>
      %max3A = arith.maxsi %while3A_97, %select_n3A_104 : vector<512x512xi32>
      %slice3A_105 = vector.extract_strided_slice %while3A_97 {offsets = [1, 0], sizes = [511, 512], strides = [1, 1]} : vector<512x512xi32> to vector<511x512xi32>
      %slice3A_106 = vector.extract_strided_slice %while3A_97 {offsets = [0, 0], sizes = [1, 512], strides = [1, 1]} : vector<512x512xi32> to vector<1x512xi32>
      %concatenate3A_107 = tpu.concatenate %slice3A_105, %slice3A_106 in 0 : vector<511x512xi32>, vector<1x512xi32> -> vector<512x512xi32>
      %jit3A_108 = arith.constant 0 : i32
      %broadcast_in_dim3A_109 = vector.broadcast %jit3A_108 : i32 to vector<512x512xi32>
      %select_n3A_110 = arith.select %eq3A_26, %concatenate3A_107, %broadcast_in_dim3A_109 : vector<512x512xi1>, vector<512x512xi32>
      %max3A_111 = arith.maxsi %max3A, %select_n3A_110 : vector<512x512xi32>
      %slice3A_112 = vector.extract_strided_slice %while3A_97 {offsets = [0, 511], sizes = [512, 1], strides = [1, 1]} : vector<512x512xi32> to vector<512x1xi32>
      %slice3A_113 = vector.extract_strided_slice %while3A_97 {offsets = [0, 0], sizes = [512, 511], strides = [1, 1]} : vector<512x512xi32> to vector<512x511xi32>
      %concatenate3A_114 = tpu.concatenate %slice3A_112, %slice3A_113 in 1 : vector<512x1xi32>, vector<512x511xi32> -> vector<512x512xi32>
      %jit3A_115 = arith.constant 0 : i32
      %broadcast_in_dim3A_116 = vector.broadcast %jit3A_115 : i32 to vector<512x512xi32>
      %select_n3A_117 = arith.select %eq3A_36, %concatenate3A_114, %broadcast_in_dim3A_116 : vector<512x512xi1>, vector<512x512xi32>
      %max3A_118 = arith.maxsi %max3A_111, %select_n3A_117 : vector<512x512xi32>
      %slice3A_119 = vector.extract_strided_slice %while3A_97 {offsets = [0, 1], sizes = [512, 511], strides = [1, 1]} : vector<512x512xi32> to vector<512x511xi32>
      %slice3A_120 = vector.extract_strided_slice %while3A_97 {offsets = [0, 0], sizes = [512, 1], strides = [1, 1]} : vector<512x512xi32> to vector<512x1xi32>
      %concatenate3A_121 = tpu.concatenate %slice3A_119, %slice3A_120 in 1 : vector<512x511xi32>, vector<512x1xi32> -> vector<512x512xi32>
      %jit3A_122 = arith.constant 0 : i32
      %broadcast_in_dim3A_123 = vector.broadcast %jit3A_122 : i32 to vector<512x512xi32>
      %select_n3A_124 = arith.select %eq3A_46, %concatenate3A_121, %broadcast_in_dim3A_123 : vector<512x512xi1>, vector<512x512xi32>
      %max3A_125 = arith.maxsi %max3A_118, %select_n3A_124 : vector<512x512xi32>
      %slice3A_126 = vector.extract_strided_slice %max3A_125 {offsets = [511, 0], sizes = [1, 512], strides = [1, 1]} : vector<512x512xi32> to vector<1x512xi32>
      %slice3A_127 = vector.extract_strided_slice %max3A_125 {offsets = [0, 0], sizes = [511, 512], strides = [1, 1]} : vector<512x512xi32> to vector<511x512xi32>
      %concatenate3A_128 = tpu.concatenate %slice3A_126, %slice3A_127 in 0 : vector<1x512xi32>, vector<511x512xi32> -> vector<512x512xi32>
      %jit3A_129 = arith.constant 0 : i32
      %broadcast_in_dim3A_130 = vector.broadcast %jit3A_129 : i32 to vector<512x512xi32>
      %select_n3A_131 = arith.select %eq3A_16, %concatenate3A_128, %broadcast_in_dim3A_130 : vector<512x512xi1>, vector<512x512xi32>
      %max3A_132 = arith.maxsi %max3A_125, %select_n3A_131 : vector<512x512xi32>
      %slice3A_133 = vector.extract_strided_slice %max3A_125 {offsets = [1, 0], sizes = [511, 512], strides = [1, 1]} : vector<512x512xi32> to vector<511x512xi32>
      %slice3A_134 = vector.extract_strided_slice %max3A_125 {offsets = [0, 0], sizes = [1, 512], strides = [1, 1]} : vector<512x512xi32> to vector<1x512xi32>
      %concatenate3A_135 = tpu.concatenate %slice3A_133, %slice3A_134 in 0 : vector<511x512xi32>, vector<1x512xi32> -> vector<512x512xi32>
      %jit3A_136 = arith.constant 0 : i32
      %broadcast_in_dim3A_137 = vector.broadcast %jit3A_136 : i32 to vector<512x512xi32>
      %select_n3A_138 = arith.select %eq3A_26, %concatenate3A_135, %broadcast_in_dim3A_137 : vector<512x512xi1>, vector<512x512xi32>
      %max3A_139 = arith.maxsi %max3A_132, %select_n3A_138 : vector<512x512xi32>
      %slice3A_140 = vector.extract_strided_slice %max3A_125 {offsets = [0, 511], sizes = [512, 1], strides = [1, 1]} : vector<512x512xi32> to vector<512x1xi32>
      %slice3A_141 = vector.extract_strided_slice %max3A_125 {offsets = [0, 0], sizes = [512, 511], strides = [1, 1]} : vector<512x512xi32> to vector<512x511xi32>
      %concatenate3A_142 = tpu.concatenate %slice3A_140, %slice3A_141 in 1 : vector<512x1xi32>, vector<512x511xi32> -> vector<512x512xi32>
      %jit3A_143 = arith.constant 0 : i32
      %broadcast_in_dim3A_144 = vector.broadcast %jit3A_143 : i32 to vector<512x512xi32>
      %select_n3A_145 = arith.select %eq3A_36, %concatenate3A_142, %broadcast_in_dim3A_144 : vector<512x512xi1>, vector<512x512xi32>
      %max3A_146 = arith.maxsi %max3A_139, %select_n3A_145 : vector<512x512xi32>
      %slice3A_147 = vector.extract_strided_slice %max3A_125 {offsets = [0, 1], sizes = [512, 511], strides = [1, 1]} : vector<512x512xi32> to vector<512x511xi32>
      %slice3A_148 = vector.extract_strided_slice %max3A_125 {offsets = [0, 0], sizes = [512, 1], strides = [1, 1]} : vector<512x512xi32> to vector<512x1xi32>
      %concatenate3A_149 = tpu.concatenate %slice3A_147, %slice3A_148 in 1 : vector<512x511xi32>, vector<512x1xi32> -> vector<512x512xi32>
      %jit3A_150 = arith.constant 0 : i32
      %broadcast_in_dim3A_151 = vector.broadcast %jit3A_150 : i32 to vector<512x512xi32>
      %select_n3A_152 = arith.select %eq3A_46, %concatenate3A_149, %broadcast_in_dim3A_151 : vector<512x512xi1>, vector<512x512xi32>
      %max3A_153 = arith.maxsi %max3A_146, %select_n3A_152 : vector<512x512xi32>
      %ne3A = arith.cmpi ne, %max3A_153, %while3A_97 : vector<512x512xi32>
      %reduce_or3A = arith.constant 1.000000e+00 : f32
      %reduce_or3A_154 = arith.constant 0.000000e+00 : f32
      %reduce_or3A_155 = vector.broadcast %reduce_or3A : f32 to vector<512x512xf32>
      %reduce_or3A_156 = vector.broadcast %reduce_or3A_154 : f32 to vector<512x512xf32>
      %reduce_or3A_157 = arith.select %ne3A, %reduce_or3A_155, %reduce_or3A_156 : vector<512x512xi1>, vector<512x512xf32>
      %reduce_or3A_158 = vector.shape_cast %reduce_or3A_157 : vector<512x512xf32> to vector<1x512x512xf32>
      %reduce_or3A_159 = arith.constant dense<0xFF800000> : vector<1xf32>
      %reduce_or3A_160 = vector.multi_reduction <maximumf>, %reduce_or3A_158, %reduce_or3A_159 [1, 2] : vector<1x512x512xf32> to vector<1xf32>
      %reduce_or3A_161 = vector.shape_cast %reduce_or3A_160 : vector<1xf32> to vector<1x1x1xf32>
      %reduce_or3A_162 = vector.extract %reduce_or3A_161[0, 0, 0] : f32 from vector<1x1x1xf32>
      %reduce_or3A_163 = arith.constant 0.000000e+00 : f32
      %reduce_or3A_164 = arith.cmpf ogt, %reduce_or3A_162, %reduce_or3A_163 : f32
      scf.yield %max3A_153, %reduce_or3A_164 : vector<512x512xi32>, i1
    }
    %eq3A_48 = arith.cmpi eq, %while3A_47#0, %add3A_7 : vector<512x512xi32>
    %eq3A_49 = arith.constant 1 : i32
    %eq3A_50 = vector.broadcast %eq3A_49 : i32 to vector<512x512xi32>
    %eq3A_51 = arith.cmpi eq, %get3A_1, %eq3A_50 : vector<512x512xi32>
    %and3A = arith.andi %eq3A_51, %eq3A_48 : vector<512x512xi1>
    %convert_element_type3A = arith.extui %and3A : vector<512x512xi1> to vector<512x512xi32>
    %reduce_sum3A = vector.shape_cast %convert_element_type3A : vector<512x512xi32> to vector<1x512x512xi32>
    %reduce_sum3A_52 = arith.constant dense<0> : vector<1xi32>
    %reduce_sum3A_53 = vector.multi_reduction <add>, %reduce_sum3A, %reduce_sum3A_52 [1, 2] : vector<1x512x512xi32> to vector<1xi32>
    %reduce_sum3A_54 = vector.shape_cast %reduce_sum3A_53 : vector<1xi32> to vector<1x1x1xi32>
    %reduce_sum3A_55 = vector.extract %reduce_sum3A_54[0, 0, 0] : i32 from vector<1x1x1xi32>
    %swap3A = arith.constant 0 : index
    %swap3A_56 = arith.constant 0 : index
    %swap3A_57 = memref.load %arg1[%swap3A, %swap3A_56] : memref<1x4xi32, #tpu.memory_space<smem>>
    memref.store %reduce_sum3A_55, %arg1[%swap3A, %swap3A_56] : memref<1x4xi32, #tpu.memory_space<smem>>
    %eq3A_58 = arith.constant 2 : i32
    %eq3A_59 = vector.broadcast %eq3A_58 : i32 to vector<512x512xi32>
    %eq3A_60 = arith.cmpi eq, %get3A_1, %eq3A_59 : vector<512x512xi32>
    %and3A_61 = arith.andi %eq3A_60, %eq3A_48 : vector<512x512xi1>
    %convert_element_type3A_62 = arith.extui %and3A_61 : vector<512x512xi1> to vector<512x512xi32>
    %reduce_sum3A_63 = vector.shape_cast %convert_element_type3A_62 : vector<512x512xi32> to vector<1x512x512xi32>
    %reduce_sum3A_64 = arith.constant dense<0> : vector<1xi32>
    %reduce_sum3A_65 = vector.multi_reduction <add>, %reduce_sum3A_63, %reduce_sum3A_64 [1, 2] : vector<1x512x512xi32> to vector<1xi32>
    %reduce_sum3A_66 = vector.shape_cast %reduce_sum3A_65 : vector<1xi32> to vector<1x1x1xi32>
    %reduce_sum3A_67 = vector.extract %reduce_sum3A_66[0, 0, 0] : i32 from vector<1x1x1xi32>
    %swap3A_68 = arith.constant 0 : index
    %swap3A_69 = arith.constant 1 : index
    %swap3A_70 = memref.load %arg1[%swap3A_68, %swap3A_69] : memref<1x4xi32, #tpu.memory_space<smem>>
    memref.store %reduce_sum3A_67, %arg1[%swap3A_68, %swap3A_69] : memref<1x4xi32, #tpu.memory_space<smem>>
    %eq3A_71 = arith.constant 3 : i32
    %eq3A_72 = vector.broadcast %eq3A_71 : i32 to vector<512x512xi32>
    %eq3A_73 = arith.cmpi eq, %get3A_1, %eq3A_72 : vector<512x512xi32>
    %and3A_74 = arith.andi %eq3A_73, %eq3A_48 : vector<512x512xi1>
    %convert_element_type3A_75 = arith.extui %and3A_74 : vector<512x512xi1> to vector<512x512xi32>
    %reduce_sum3A_76 = vector.shape_cast %convert_element_type3A_75 : vector<512x512xi32> to vector<1x512x512xi32>
    %reduce_sum3A_77 = arith.constant dense<0> : vector<1xi32>
    %reduce_sum3A_78 = vector.multi_reduction <add>, %reduce_sum3A_76, %reduce_sum3A_77 [1, 2] : vector<1x512x512xi32> to vector<1xi32>
    %reduce_sum3A_79 = vector.shape_cast %reduce_sum3A_78 : vector<1xi32> to vector<1x1x1xi32>
    %reduce_sum3A_80 = vector.extract %reduce_sum3A_79[0, 0, 0] : i32 from vector<1x1x1xi32>
    %swap3A_81 = arith.constant 0 : index
    %swap3A_82 = arith.constant 2 : index
    %swap3A_83 = memref.load %arg1[%swap3A_81, %swap3A_82] : memref<1x4xi32, #tpu.memory_space<smem>>
    memref.store %reduce_sum3A_80, %arg1[%swap3A_81, %swap3A_82] : memref<1x4xi32, #tpu.memory_space<smem>>
    %eq3A_84 = arith.constant 4 : i32
    %eq3A_85 = vector.broadcast %eq3A_84 : i32 to vector<512x512xi32>
    %eq3A_86 = arith.cmpi eq, %get3A_1, %eq3A_85 : vector<512x512xi32>
    %and3A_87 = arith.andi %eq3A_86, %eq3A_48 : vector<512x512xi1>
    %convert_element_type3A_88 = arith.extui %and3A_87 : vector<512x512xi1> to vector<512x512xi32>
    %reduce_sum3A_89 = vector.shape_cast %convert_element_type3A_88 : vector<512x512xi32> to vector<1x512x512xi32>
    %reduce_sum3A_90 = arith.constant dense<0> : vector<1xi32>
    %reduce_sum3A_91 = vector.multi_reduction <add>, %reduce_sum3A_89, %reduce_sum3A_90 [1, 2] : vector<1x512x512xi32> to vector<1xi32>
    %reduce_sum3A_92 = vector.shape_cast %reduce_sum3A_91 : vector<1xi32> to vector<1x1x1xi32>
    %reduce_sum3A_93 = vector.extract %reduce_sum3A_92[0, 0, 0] : i32 from vector<1x1x1xi32>
    %swap3A_94 = arith.constant 0 : index
    %swap3A_95 = arith.constant 3 : index
    %swap3A_96 = memref.load %arg1[%swap3A_94, %swap3A_95] : memref<1x4xi32, #tpu.memory_space<smem>>
    memref.store %reduce_sum3A_93, %arg1[%swap3A_94, %swap3A_95] : memref<1x4xi32, #tpu.memory_space<smem>>
    return
  }
}

</mosaic_0001>

<sc_bundles>
// kernel: _run.6.cloned.1.call-start
scs
__scs_entry_jumppad:
0x0: {  	(pc) =	sbr.rel $0x88, $3  }
0x1: {  	(tag) =	ssettag $0x0;
	lr =	simm.s32 $0x1  }
0x2: {  	[smem:$0x3F9F] =	sst lr;
	_ =	strace $0xD0000000  }
0x3: {  	_ = 	snop  }
0x4: {  	_ = 	snop  }
0x5: {  	_ = 	snop  }
0x6: {  	_ = 	snop  }
0x7: {  	_ = 	snop  }
__scs_overlays_trampoline_lowered:
0x8: {  	[smem:$0x3FAE] =	sst s0  }
0x9: {  	[smem:$0x3FAF] =	sst s1  }
0xa: {  	[smem:$0x3FB0] =	sst s2  }
0xb: {  	[smem:$0x3FB1] =	sst s3  }
0xc: {  	[smem:$0x3FB2] =	sst s4  }
0xd: {  	[smem:$0x3FB3] =	sst s5  }
0xe: {  	[smem:$0x3FB4] =	sst s6  }
0xf: {  	[smem:$0x3FB5] =	sst s7  }
0x10: {  	[smem:$0x3FB6] =	sst s8  }
0x11: {  	[smem:$0x3FB7] =	sst s9;
	s0 =	simm.s32 @!p0 $0x0  }
0x12: {  	s1 =	sld [smem:$0x3F9D];
	s0 =	simm.s32 @p0 $0x1  }
0x13: {  	[smem:$0x3FB8] =	sst s0;
	s0 =	simm.s32 @!p1 $0x0  }
0x14: {  	s2 =	sld [smem:$0x3F9C];
	s0 =	simm.s32 @p1 $0x1  }
0x15: {  	[smem:$0x3FB9] =	sst s0;
	s0 =	simm.s32 @!p2 $0x0  }
0x16: {  	s3 =	sld [smem:$0x3FDB];
	s0 =	simm.s32 @p2 $0x1  }
0x17: {  	s4 =	simm.s32 $0x1BF5;
	[smem:$0x3FBB] =	sst s0  }
0x18: {  	s0 =	sld [smem:$0x3F9E];
	_ =	swait.ge [sflag:s4], $0x0  }
0x19: {  	s7 =	sld [smem:$0x3F9F]  }
0x1a: {  	s8 =	sadd.s32 $0xFFFFE003, lr  }
0x1b: {  	s9 =	sadd.s32 $0xFFFFFEF7, lr;
	s5 =	simm.s32 $0xFFFFFFFF;
	p2 =	slt.u32 s8, $0xFFFFF086  }
0x1c: {  	p1 =	slt.u32 s9, $0xF7A;
	s5 =	simm.s32 @!p2 $0x0  }
0x1d: {  	s5 =	simm.s32 @p1 $0x1;
	p0 =	seq.s32 s7, s2  }
0x1e: {  	s7 =	smul.u32 @!p0 $0xF7A, s2;
	p2 =	seq.s32 @!p0 s5, $0x0  }
0x1f: {  	s9 =	smul.u32 $0xF7A, s1;
	s8 =	simm.s32 @!p0 $0x1BF5;
	p2 =	por !p2, p0  }
0x20: {  	[sflag:s8] =	ssyncset.s32 @!p0 $0xFFFFF086;
	s6 =	sadd.s32 @!p0 s3, s7;
	s7 =	simm.s32 @!p0 $0x108  }
0x21: {  	s3 =	sadd.s32 s3, s9;
	s6 =	sadd.s32 @!p0 $0x88, s6;
	s7 =	simm.s32 @p2 $0x1082  }
0x22: {  	[simem:s7], [sflag:s8] =	dma.local @!p0 [hbm:s6], $0xF7A  }
0x23: {  	s9 =	sor.u32 $0xD0000000, s2;
	s6 =	simm.s32 $0x108;
	_ =	swait.ge @!p0 [sflag:s8], $0x0  }
0x24: {  	s3 =	sadd.s32 $0x88, s3;
	s6 =	simm.s32 @!p1 $0x1082;
	[sflag:s4] =	ssyncset.s32 $0xFFFFF086  }
0x25: {  	[simem:s6], [sflag:s4] =	dma.local [hbm:s3], $0xF7A  }
0x26: {  	[smem:$0x3F9F] =	sst s1;
	(tag) =	ssettag s2;
	_ =	strace s9  }
0x27: {  	s1 =	sld [smem:$0x3FAF]  }
0x28: {  	s2 =	sld [smem:$0x3FB0]  }
0x29: {  	s4 =	sld [smem:$0x3FB2]  }
0x2a: {  	p0 =	seq.s32 s5, $0x0;
	s5 =	sld [smem:$0x3FB3]  }
0x2b: {  	s6 =	sld [smem:$0x3FB4]  }
0x2c: {  	s7 =	sld [smem:$0x3FB5]  }
0x2d: {  	s3 =	simm.s32 $0x108;
	s8 =	sld [smem:$0x3FB6]  }
0x2e: {  	s3 =	simm.s32 @!p0 $0x1082;
	s9 =	sld [smem:$0x3FB7]  }
0x2f: {  	lr =	sadd.s32 s0, s3;
	s0 =	sld [smem:$0x3FAE]  }
0x30: {  	s3 =	sld [smem:$0x3FB1]  }
0x31: {  	[smem:$0x3FBA] =	sst s10  }
0x32: {  	s10 =	sld [smem:$0x3FB8];
	_ =	sdelay $0x3  }
0x33: {  	p0 =	seq.s32 s10, $0x1;
	s10 =	sld [smem:$0x3FBA];
	_ =	sdelay $0x3  }
0x34: {  	[smem:$0x3FBA] =	sst s10  }
0x35: {  	s10 =	sld [smem:$0x3FB9];
	_ =	sdelay $0x3  }
0x36: {  	p1 =	seq.s32 s10, $0x1;
	s10 =	sld [smem:$0x3FBA];
	_ =	sdelay $0x3  }
0x37: {  	[smem:$0x3FBA] =	sst s10  }
0x38: {  	s10 =	sld [smem:$0x3FBB]  }
0x39: {  	_ = 	snop;
	(pc) =	sbr.ind lr, $3  }
0x3a: {  	_ = 	snop  }
0x3b: {  	_ = 	snop  }
0x3c: {  	p2 =	seq.s32 s10, $0x1;
	s10 =	sld [smem:$0x3FBA]  }
0x3d: {  	_ =	shalt  }
0x3e: {  	_ =	shalt  }
0x3f: {  	_ =	shalt  }
0x40: {  	_ =	shalt  }
0x41: {  	_ =	shalt  }
0x42: {  	_ =	shalt  }
0x43: {  	_ =	shalt  }
0x44: {  	_ =	shalt  }
0x45: {  	_ =	shalt  }
0x46: {  	_ =	shalt  }
0x47: {  	_ =	shalt  }
0x48: {  	_ =	shalt  }
0x49: {  	_ =	shalt  }
0x4a: {  	_ =	shalt  }
0x4b: {  	_ =	shalt  }
0x4c: {  	_ =	shalt  }
0x4d: {  	_ =	shalt  }
0x4e: {  	_ =	shalt  }
0x4f: {  	_ =	shalt  }
0x50: {  	_ =	shalt  }
0x51: {  	_ =	shalt  }
0x52: {  	_ =	shalt  }
0x53: {  	_ =	shalt  }
0x54: {  	_ =	shalt  }
0x55: {  	_ =	shalt  }
0x56: {  	_ =	shalt  }
0x57: {  	_ =	shalt  }
0x58: {  	_ =	shalt  }
0x59: {  	_ =	shalt  }
0x5a: {  	_ =	shalt  }
0x5b: {  	_ =	shalt  }
0x5c: {  	_ =	shalt  }
0x5d: {  	_ =	shalt  }
0x5e: {  	_ =	shalt  }
0x5f: {  	_ =	shalt  }
0x60: {  	_ =	shalt  }
0x61: {  	_ =	shalt  }
0x62: {  	_ =	shalt  }
0x63: {  	_ =	shalt  }
0x64: {  	_ =	shalt  }
0x65: {  	_ =	shalt  }
0x66: {  	_ =	shalt  }
0x67: {  	_ =	shalt  }
0x68: {  	_ =	shalt  }
0x69: {  	_ =	shalt  }
0x6a: {  	_ =	shalt  }
0x6b: {  	_ =	shalt  }
0x6c: {  	_ =	shalt  }
0x6d: {  	_ =	shalt  }
0x6e: {  	_ =	shalt  }
0x6f: {  	_ =	shalt  }
0x70: {  	_ =	shalt  }
0x71: {  	_ =	shalt  }
0x72: {  	_ =	shalt  }
0x73: {  	_ =	shalt  }
0x74: {  	_ =	shalt  }
0x75: {  	_ =	shalt  }
0x76: {  	_ =	shalt  }
0x77: {  	_ =	shalt  }
0x78: {  	_ =	shalt  }
0x79: {  	_ =	shalt  }
0x7a: {  	_ =	shalt  }
0x7b: {  	_ =	shalt  }
0x7c: {  	_ =	shalt  }
0x7d: {  	_ =	shalt  }
0x7e: {  	_ =	shalt  }
0x7f: {  	_ =	shalt  }
0x80: {  	_ =	shalt  }
0x81: {  	_ =	shalt  }
0x82: {  	_ =	shalt  }
0x83: {  	_ =	shalt  }
0x84: {  	_ =	shalt  }
0x85: {  	_ =	shalt  }
0x86: {  	_ =	shalt  }
0x87: {  	_ =	shalt  }
.Lfunc_end0:
.L_simem_size_0:
called_computation_lowered:
.L_overlay_start_0:
0x88: {  	s2 =	sld [smem:$0x3FD9]  }
0x89: {  	s3 =	sld [smem:$0x3FFE];
	_ =	sdelay $0x1  }
0x8a: {  	s1 =	srdreg.scid  }
0x8b: {  	s0 =	sand.u32 $0x1, s1  }
0x8c: {  	s17 =	sshll.u32 s0, $0xA;
	s2 =	sadd.s32 s3, s2  }
0x8d: {  	s2 =	sadd.s32 s2, s17  }
0x8e: {  	[smem:$0x3FC6] =	sst s2  }
0x8f: {  	_ = 	snop  }
0x90: {  	s2 =	sld [smem:$0x3FC8];
	(tm) =	ssettm $0x1  }
0x91: {  	s18 =	sld [smem:$0x3FFB];
	_ =	sdelay $0x3  }
0x92: {  	_ =	strace s18  }
0x93: {  	s3 =	sld [smem:$0x3FFC];
	_ =	sdelay $0x3  }
0x94: {  	_ =	strace s3  }
0x95: {  	s3 =	sld [smem:$0x3FFD];
	_ =	sdelay $0x3  }
0x96: {  	_ =	strace s3  }
0x97: {  	_ =	strace $0x8FFFFFFF  }
0x98: {  	s19 =	sld [smem:$0x3FDB];
	_ =	sdelay $0x1  }
0x99: {  	s4 =	simm.s32 $_scs_section_size  }
0x9a: {  	s5 =	simm.s32 $_size__tile_overlayer_lowered;
	s6 =	simm.s32 $_tile_overlayer_lowered  }
0x9b: {  	s22 =	simm.s32 $0x1BFF;
	s21 =	sshll.u32 s6, $0x1;
	s3 =	sadd.s32 s4, s19  }
0x9c: {  	s7 =	simm.s32 $0x0;
	s20 =	sshll.u32 s5, $0x1;
	s5 =	sadd.s32 s21, s3  }
0x9d: {  	[timem:s7], [sflag:s22] =	dma.local [hbm:s5], s20  }
0x9e: {  	_ =	swait.ge [sflag:s22], s20  }
0x9f: {  	s4 =	ssub.s32 $0x0, s20;
	[sflag:s22] =	ssyncset.done $0x0  }
0xa0: {  	[sflag:s22] =	ssyncadd.s32 s4;
	_ =	sdelay $0x1  }
0xa1: {  	s23 =	simm.s32 $0x1B8B  }
0xa2: {  	_ =	swait.ge [sflag:s23], $0x1  }
0xa3: {  	[sflag:s23] =	ssyncset.done $0x0  }
0xa4: {  	s25 =	simm.s32 $0x1B8E;
	s24 =	sld [smem:$0x3FFE];
	[sflag:s23] =	ssyncadd.s32 $0xFFFFFFFF  }
0xa5: {  	s26 =	simm.s32 $execute0_lowered;
	[smem:$0x3FD2] =	sst s25  }
0xa6: {  	s5 =	sshll.u32 s26, $0x1;
	_ =	strace $0x80000046;
	[dreg:$0x1] =	wrdreg $0xFFFFFFFF  }
0xa7: {  	s28 =	simm.s32 $_size_execute0_lowered;
	s3 =	sadd.s32 s3, s5;
	[dreg:$0x0] =	wrdreg $0x0  }
0xa8: {  	s5 =	sshll.u32 s28, $0x1;
	[dreg:$0x2] =	wrdreg s3  }
0xa9: {  	[dreg:$0x3] =	wrdreg s5  }
0xaa: {  	[dreg:$0x4] =	wrdreg $0xC0  }
0xab: {  	_ =	task [dreg:s7], $0x5FFFF  }
0xac: {  	[dreg:$0x1] =	wrdreg $0xFFFFFFFF  }
0xad: {  	[dreg:$0x0] =	wrdreg $0x60  }
0xae: {  	[dreg:$0x2] =	wrdreg s24  }
0xaf: {  	[dreg:$0x3] =	wrdreg s2  }
0xb0: {  	[dreg:$0x4] =	wrdreg $0x9  }
0xb1: {  	_ =	task.clear_ibuf [dreg:s7], $0x5FFFF;
	_ =	strace $0x90000046  }
0xb2: {  	s29 =	simm.s32 $0x9;
	_ =	strace $0x80000048  }
0xb3: {  	_ =	swait.ge [sflag:s29], $0x1  }
0xb4: {  	[sflag:s29] =	ssyncadd.s32 $0xFFFFFFFF  }
0xb5: {  	_ =	strace $0x90000048  }
0xb6: {  	_ =	sfence  }
0xb7: {  	s30 =	sld [smem:$0x0];
	_ =	sdelay $0x2  }
0xb8: {  	s31 =	sshll.u32 s1, $0xD;
	s1 =	sshrl.u32 s1, $0x2  }
0xb9: {  	s3 =	sand.u32 $0x4000, s31;
	s1 =	sadd.s32 s1, s30  }
0xba: {  	s0 =	sor.u32 s3, s0;
	s1 =	sshll.u32 s1, $0x11  }
0xbb: {  	s0 =	sor.u32 s1, s0  }
0xbc: {  	s0 =	sadd.s32 $0x8F2B, s0  }
0xbd: {  	[sflag:s0] =	ssyncadd.remote.s32 $0x1  }
0xbe: {  	_ =	sfence.sel $0xFFFF  }
0xbf: {  	[dreg:$0x0] =	wrdreg $0xFFFFFFFF;
	(pc) =	sbr.abs _section_cstart, $3  }
0xc0: {  	[dreg:$0x1] =	wrdreg $0xFFFFFFFF  }
0xc1: {  	_ =	task.clear_ibuf [dreg:s7], $0x2FFFF;
	_ =	strace $0x9FFFFFFF  }
0xc2: {  	(tm) =	ssettm $0x7FFFFFFF  }
0xc3: {  	_ =	shalt  }
tec
execute0_lowered:
.L_overlay_start_1:
0x0: {  	(tag) =	ssettag $0x1  }
0x1: {  	s3 =	rddreg [dreg:$0x0]  }
0x2: {  	s4 =	rddreg [dreg:$0x1]  }
0x3: {  	s0 =	rddreg [dreg:$0x2]  }
0x4: {  	s2 =	simm.s32 $0x0;
	s5 =	srdreg.scid;
	s1 =	stileid.u32  }
0x5: {  	s11 =	simm.s32 $0x4000;
	s12 =	simm.s32 $0x6000;
	s13 =	simm.s32 $0x8000  }
0x6: {  	[smem:$0x7FF] =	sst s2;
	s5 =	sand.u32 $0x1, s5;
	s6 =	sshll.u32 s1, $0x1  }
0x7: {  	s14 =	simm.s32 $0x0;
	_ =	strace $0x80000047;
	s6 =	sor.u32 s5, s6  }
0x8: {  	s5 =	ssub.s32 $0x2, s5;
	s7 =	sshll.u32 s6, $0xA;
	s6 =	sshll.u32 s6, $0x8  }
0x9: {  	v0 =	vlaneseq.u32;
	s8 =	sshrl.u32 s5, $0x1;
	s9 =	sadd.s32 s7, s3;
	s10 =	sadd.s32 s6, s3  }
0xa: {  	v0 =	vmul.u32 $0x80, v0;
	s8 =	ssub.s32 s5, s8;
	s4 =	sadd.s32 s4, s7;
	s3 =	sadd.s32 $0x1400, s9  }
0xb: {  	v1 =	vimm.f32 $0.0e+00;
	v2 =	vimm.f32 $1.000000000e+00;
	s5 =	sadd.s32 $0x9400, s9;
	s6 =	sadd.s32 $0x11400, s9;
	s7 =	sadd.s32 $0x19400, s10  }
0xc: {  	v3 =	vor.u32 $0x19, v0;
	v4 =	vor.u32 $0x32, v0;
	v5 =	vor.u32 $0x4B, v0;
	s8 =	smax.u32 s8, $0x1;
	s9 =	simm.s32 $0x1;
	s10 =	simm.s32 $0x2000  }
.LBB2_1:
0xd: {  	[tilespmem:s2], [sflag:$0x1] =	stream.linear.gather [hbm4b:s3+s2], $0x2000, $0x38;
	[tilespmem:$0x8800] =	vst v63  }
0xe: {  	_ =	swait.ge [sflag:s9], $0x2000  }
0xf: {  	[sflag:s9] =	ssyncset.done $0x0  }
0x10: {  	[sflag:s9] =	ssyncadd.s32 $0xFFFFE000  }
0x11: {  	[tilespmem:s10], [sflag:$0x1] =	stream.linear.gather [hbm4b:s4+s2], $0x2000, $0x38;
	[tilespmem:$0x8800] =	vst v63  }
0x12: {  	_ =	swait.ge [sflag:s9], $0x2000  }
0x13: {  	[sflag:s9] =	ssyncset.done $0x0  }
0x14: {  	[sflag:s9] =	ssyncadd.s32 $0xFFFFE000  }
0x15: {  	[tilespmem:s11], [sflag:$0x1] =	stream.linear.gather [hbm4b:s5+s2], $0x2000, $0x38;
	[tilespmem:$0x8800] =	vst v63  }
0x16: {  	_ =	swait.ge [sflag:s9], $0x2000  }
0x17: {  	[sflag:s9] =	ssyncset.done $0x0  }
0x18: {  	[sflag:s9] =	ssyncadd.s32 $0xFFFFE000  }
0x19: {  	[tilespmem:s12], [sflag:$0x1] =	stream.linear.gather [hbm4b:s6+s2], $0x2000, $0x38;
	[tilespmem:$0x8800] =	vst v63  }
0x1a: {  	_ =	swait.ge [sflag:s9], $0x2000  }
0x1b: {  	[sflag:s9] =	ssyncset.done $0x0  }
0x1c: {  	[sflag:s9] =	ssyncadd.s32 $0xFFFFE000  }
0x1d: {  	[tilespmem:$0x8000] =	vst v1  }
0x1e: {  	[tilespmem:$0x8010] =	vst v1  }
0x1f: {  	[tilespmem:$0x8020] =	vst v1  }
0x20: {  	[tilespmem:$0x8030] =	vst v1  }
0x21: {  	[tilespmem:$0x8040] =	vst v1  }
0x22: {  	[tilespmem:$0x8050] =	vst v1  }
0x23: {  	[tilespmem:$0x8060] =	vst v1  }
0x24: {  	[tilespmem:$0x8080] =	vst v1  }
0x25: {  	[tilespmem:$0x8090] =	vst v1  }
0x26: {  	[tilespmem:$0x80A0] =	vst v1  }
0x27: {  	[tilespmem:$0x80B0] =	vst v1  }
0x28: {  	[tilespmem:$0x80C0] =	vst v1  }
0x29: {  	[tilespmem:$0x80D0] =	vst v1  }
0x2a: {  	[tilespmem:$0x80E0] =	vst v1  }
0x2b: {  	[tilespmem:$0x8100] =	vst v1  }
0x2c: {  	[tilespmem:$0x8110] =	vst v1  }
0x2d: {  	[tilespmem:$0x8120] =	vst v1  }
0x2e: {  	[tilespmem:$0x8130] =	vst v1  }
0x2f: {  	[tilespmem:$0x8140] =	vst v1  }
0x30: {  	[tilespmem:$0x8150] =	vst v1  }
0x31: {  	[tilespmem:$0x8160] =	vst v1  }
0x32: {  	[tilespmem:$0x8180] =	vst v1  }
0x33: {  	[tilespmem:$0x8190] =	vst v1  }
0x34: {  	[tilespmem:$0x81A0] =	vst v1  }
0x35: {  	[tilespmem:$0x81B0] =	vst v1  }
0x36: {  	[tilespmem:$0x81C0] =	vst v1  }
0x37: {  	[tilespmem:$0x81D0] =	vst v1  }
0x38: {  	[tilespmem:$0x81E0] =	vst v1  }
0x39: {  	[tilespmem:$0x8200] =	vst v1  }
0x3a: {  	[tilespmem:$0x8210] =	vst v1  }
0x3b: {  	[tilespmem:$0x8220] =	vst v1  }
0x3c: {  	[tilespmem:$0x8230] =	vst v1  }
0x3d: {  	[tilespmem:$0x8240] =	vst v1  }
0x3e: {  	[tilespmem:$0x8250] =	vst v1  }
0x3f: {  	[tilespmem:$0x8260] =	vst v1  }
0x40: {  	[tilespmem:$0x8280] =	vst v1  }
0x41: {  	[tilespmem:$0x8290] =	vst v1  }
0x42: {  	[tilespmem:$0x82A0] =	vst v1  }
0x43: {  	[tilespmem:$0x82B0] =	vst v1  }
0x44: {  	[tilespmem:$0x82C0] =	vst v1  }
0x45: {  	[tilespmem:$0x82D0] =	vst v1  }
0x46: {  	[tilespmem:$0x82E0] =	vst v1  }
0x47: {  	[tilespmem:$0x8300] =	vst v1  }
0x48: {  	[tilespmem:$0x8310] =	vst v1  }
0x49: {  	[tilespmem:$0x8320] =	vst v1  }
0x4a: {  	[tilespmem:$0x8330] =	vst v1  }
0x4b: {  	[tilespmem:$0x8340] =	vst v1  }
0x4c: {  	[tilespmem:$0x8350] =	vst v1  }
0x4d: {  	[tilespmem:$0x8360] =	vst v1  }
0x4e: {  	[tilespmem:$0x8380] =	vst v1  }
0x4f: {  	[tilespmem:$0x8390] =	vst v1  }
0x50: {  	[tilespmem:$0x83A0] =	vst v1  }
0x51: {  	[tilespmem:$0x83B0] =	vst v1  }
0x52: {  	[tilespmem:$0x83C0] =	vst v1  }
0x53: {  	[tilespmem:$0x83D0] =	vst v1  }
0x54: {  	[tilespmem:$0x83E0] =	vst v1  }
0x55: {  	[tilespmem:$0x8400] =	vst v1  }
0x56: {  	[tilespmem:$0x8410] =	vst v1  }
0x57: {  	[tilespmem:$0x8420] =	vst v1  }
0x58: {  	[tilespmem:$0x8430] =	vst v1  }
0x59: {  	[tilespmem:$0x8440] =	vst v1  }
0x5a: {  	[tilespmem:$0x8450] =	vst v1  }
0x5b: {  	[tilespmem:$0x8460] =	vst v1  }
0x5c: {  	[tilespmem:$0x8480] =	vst v1  }
0x5d: {  	[tilespmem:$0x8490] =	vst v1  }
0x5e: {  	[tilespmem:$0x84A0] =	vst v1  }
0x5f: {  	[tilespmem:$0x84B0] =	vst v1  }
0x60: {  	[tilespmem:$0x84C0] =	vst v1  }
0x61: {  	[tilespmem:$0x84D0] =	vst v1  }
0x62: {  	[tilespmem:$0x84E0] =	vst v1  }
0x63: {  	[tilespmem:$0x8500] =	vst v1  }
0x64: {  	[tilespmem:$0x8510] =	vst v1  }
0x65: {  	[tilespmem:$0x8520] =	vst v1  }
0x66: {  	[tilespmem:$0x8530] =	vst v1  }
0x67: {  	[tilespmem:$0x8540] =	vst v1  }
0x68: {  	[tilespmem:$0x8550] =	vst v1  }
0x69: {  	[tilespmem:$0x8560] =	vst v1  }
0x6a: {  	[tilespmem:$0x8580] =	vst v1  }
0x6b: {  	[tilespmem:$0x8590] =	vst v1  }
0x6c: {  	[tilespmem:$0x85A0] =	vst v1  }
0x6d: {  	[tilespmem:$0x85B0] =	vst v1  }
0x6e: {  	[tilespmem:$0x85C0] =	vst v1  }
0x6f: {  	[tilespmem:$0x85D0] =	vst v1  }
0x70: {  	[tilespmem:$0x85E0] =	vst v1  }
0x71: {  	[tilespmem:$0x8600] =	vst v1  }
0x72: {  	[tilespmem:$0x8610] =	vst v1  }
0x73: {  	[tilespmem:$0x8620] =	vst v1  }
0x74: {  	[tilespmem:$0x8630] =	vst v1  }
0x75: {  	[tilespmem:$0x8640] =	vst v1  }
0x76: {  	[tilespmem:$0x8650] =	vst v1  }
0x77: {  	[tilespmem:$0x8660] =	vst v1  }
0x78: {  	[tilespmem:$0x8680] =	vst v1  }
0x79: {  	[tilespmem:$0x8690] =	vst v1  }
0x7a: {  	[tilespmem:$0x86A0] =	vst v1  }
0x7b: {  	[tilespmem:$0x86B0] =	vst v1  }
0x7c: {  	[tilespmem:$0x86C0] =	vst v1  }
0x7d: {  	[tilespmem:$0x86D0] =	vst v1  }
0x7e: {  	[tilespmem:$0x86E0] =	vst v1  }
0x7f: {  	[tilespmem:$0x8700] =	vst v1  }
0x80: {  	[tilespmem:$0x8710] =	vst v1  }
0x81: {  	[tilespmem:$0x8720] =	vst v1  }
0x82: {  	[tilespmem:$0x8730] =	vst v1  }
0x83: {  	[tilespmem:$0x8740] =	vst v1  }
0x84: {  	[tilespmem:$0x8750] =	vst v1  }
0x85: {  	[tilespmem:$0x8760] =	vst v1  }
0x86: {  	[tilespmem:$0x8780] =	vst v1  }
0x87: {  	[tilespmem:$0x8790] =	vst v1  }
0x88: {  	[tilespmem:$0x87A0] =	vst v1  }
0x89: {  	[tilespmem:$0x87B0] =	vst v1  }
0x8a: {  	[tilespmem:$0x87C0] =	vst v1  }
0x8b: {  	[tilespmem:$0x87D0] =	vst v1  }
0x8c: {  	s15 =	simm.s32 $0x0;
	[tilespmem:$0x87E0] =	vst v1  }
.LBB2_2:
0x8d: {  	s16 =	sshll.u32 s15, $0x9;
	s17 =	sshll.u32 s15, $0x7  }
0x8e: {  	s18 =	simm.s32 $0x0;
	s16 =	sand.u32 $0x1000, s16;
	s17 =	sand.u32 $0x380, s17  }
0x8f: {  	s30 =	sand.u32 $0xC00, s18;
	s16 =	sor.u32 s16, s17  }
0x90: {  	s18 =	sand.u32 $0x70, s18;
	s17 =	sor.u32 s30, s16  }
0x91: {  	s17 =	sor.u32 s18, s17  }
0x92: {  	v7 =	vld [tilespmem:s17+$0x4000];
	_ =	sdelay $0x4  }
0x93: {  	v6 =	vsub.f32 $0.0e+00, v7;
	_ =	sdelay $0x1  }
0x94: {  	v6 =	vmul.f32 $1.442695020e+00, v6;
	_ =	sdelay $0x1  }
0x95: {  	(erf) = vpow2.f32 v6;
	_ =	sdelay $0x3  }
0x96: {  	v6 =	vld [tilespmem:s17+$0x0];
	_ =	sdelay $0x1  }
0x97: {  	v8 =	vld [tilespmem:s17+$0x2000];
	_ =	sdelay $0x2  }
0x98: {  	v6 =	vmul.u32 $0x5, v6;
	v9 =	vpop (erf)  }
0x99: {  	v9 =	vadd.f32 $1.000000000e+00, v9  }
0x9a: {  	v8 =	vadd.s32 v8, v6  }
0x9b: {  	v62 =	vadd.s32 v0, v8;
	(erf) = vrcp.f32 v9  }
0x9c: {  	v10 =	vadd.s32 v3, v8;
	_ =	sdelay $0x2  }
0x9d: {  	v6 =	vld [tilespmem:s17+$0x6000]  }
0x9e: {  	v11 =	vadd.s32 v4, v8;
	[tilespmem:v62+s13+$0x0] =	vst.idx.add.f32.msk $0xffff, v2  }
0x9f: {  	[tilespmem:v10+s13+$0x0] =	vst.idx.add.f32.msk $0xffff, v7;
	v7 =	vadd.s32 v5, v8;
	_ =	sdelay $0x1  }
0xa0: {  	s17 =	simm.s32 $0x80  }
0xa1: {  	s31 =	simm.s32 $0x10;
	s20 =	sand.u32 $0xC00, s17;
	v63 =	vpop (erf)  }
0xa2: {  	s19 =	sand.u32 $0x70, s31;
	s18 =	simm.s32 $0x20;
	s20 =	sor.u32 s20, s16;
	[tilespmem:v11+s13+$0x0] =	vst.idx.add.f32.msk $0xffff, v63  }
.LBB2_3:
0xa3: {  	p0 =	sne.s32 s18, $0x1F0;
	s19 =	sor.u32 s19, s20;
	[tilespmem:v7+s13+$0x0] =	vst.idx.add.f32.msk $0xffff, v6  }
0xa4: {  	v8 =	vld [tilespmem:s19+$0x4000]  }
0xa5: {  	v7 =	vld [tilespmem:s19+$0x0]  }
0xa6: {  	v9 =	vld [tilespmem:s19+$0x2000]  }
0xa7: {  	v6 =	vld [tilespmem:s19+$0x6000];
	_ =	sdelay $0x1  }
0xa8: {  	v10 =	vsub.f32 $0.0e+00, v8;
	_ =	sdelay $0x1  }
0xa9: {  	v10 =	vmul.f32 $1.442695020e+00, v10;
	_ =	sdelay $0x1  }
0xaa: {  	(erf) = vpow2.f32 v10;
	_ =	sdelay $0x8  }
0xab: {  	v10 =	vpop (erf)  }
0xac: {  	v10 =	vadd.f32 $1.000000000e+00, v10;
	_ =	sdelay $0x1  }
0xad: {  	v7 =	vmul.u32 $0x5, v7;
	(erf) = vrcp.f32 v10;
	_ =	sdelay $0x1  }
0xae: {  	v7 =	vadd.s32 v9, v7  }
0xaf: {  	v9 =	vadd.s32 v0, v7  }
0xb0: {  	v10 =	vadd.s32 v3, v7  }
0xb1: {  	v11 =	vadd.s32 v4, v7  }
.Ltmp0:
0xb2: {  	v7 =	vadd.s32 v5, v7;
	(pc) =	sbr.rel @p0 .LBB2_3-.Ltmp0, $4  }
0xb3: {  	_ = 	snop  }
0xb4: {  	s17 =	sadd.s32 $0x80, s17;
	[tilespmem:v9+s13+$0x0] =	vst.idx.add.f32.msk $0xffff, v2  }
0xb5: {  	s20 =	sand.u32 $0xC00, s17;
	[tilespmem:v10+s13+$0x0] =	vst.idx.add.f32.msk $0xffff, v8;
	v8 =	vpop (erf)  }
0xb6: {  	s20 =	sor.u32 s20, s16;
	s19 =	sand.u32 $0x70, s18;
	s18 =	sadd.s32 $0x10, s18;
	[tilespmem:v11+s13+$0x0] =	vst.idx.add.f32.msk $0xffff, v8  }
0xb7: {  	_ =	sdelay $0x3  }
0xb8: {  	s16 =	sor.u32 s19, s20;
	[tilespmem:v7+s13+$0x0] =	vst.idx.add.f32.msk $0xffff, v6  }
0xb9: {  	v6 =	vld [tilespmem:s16+$0x4000];
	_ =	sdelay $0x4  }
0xba: {  	v7 =	vsub.f32 $0.0e+00, v6;
	_ =	sdelay $0x1  }
0xbb: {  	v7 =	vmul.f32 $1.442695020e+00, v7;
	_ =	sdelay $0x1  }
0xbc: {  	(erf) = vpow2.f32 v7;
	_ =	sdelay $0x6  }
0xbd: {  	v7 =	vld [tilespmem:s16+$0x0];
	_ =	sdelay $0x1  }
0xbe: {  	v8 =	vld [tilespmem:s16+$0x2000];
	v9 =	vpop (erf)  }
0xbf: {  	v9 =	vadd.f32 $1.000000000e+00, v9;
	_ =	sdelay $0x1  }
0xc0: {  	v7 =	vmul.u32 $0x5, v7;
	(erf) = vrcp.f32 v9;
	_ =	sdelay $0x1  }
0xc1: {  	v7 =	vadd.s32 v8, v7  }
0xc2: {  	v8 =	vadd.s32 v0, v7  }
0xc3: {  	v63 =	vadd.s32 v3, v7  }
0xc4: {  	s15 =	sadd.s32 $0x1, s15;
	v10 =	vadd.s32 v4, v7  }
0xc5: {  	v11 =	vld [tilespmem:s16+$0x6000];
	p0 =	sne.s32 s15, $0x10;
	v7 =	vadd.s32 v5, v7  }
.Ltmp1:
0xc6: {  	_ = 	snop;
	(pc) =	sbr.rel @p0 .LBB2_2-.Ltmp1, $4  }
0xc7: {  	[tilespmem:v8+s13+$0x0] =	vst.idx.add.f32.msk $0xffff, v2  }
0xc8: {  	[tilespmem:v63+s13+$0x0] =	vst.idx.add.f32.msk $0xffff, v6;
	v6 =	vpop (erf)  }
0xc9: {  	[tilespmem:v10+s13+$0x0] =	vst.idx.add.f32.msk $0xffff, v6  }
0xca: {  	[tilespmem:v7+s13+$0x0] =	vst.idx.add.f32.msk $0xffff, v11  }
0xcb: {  	s14 =	sadd.s32 $0x1, s14  }
0xcc: {  	p0 =	sne.s32 s14, s8  }
.Ltmp2:
0xcd: {  	_ = 	snop;
	(pc) =	sbr.rel @p0 .LBB2_1-.Ltmp2, $4  }
0xce: {  	[hbm4b:s7+s2] =	stream.linear.scatter [tilespmem:s13], [sflag:$0x1], $0x800, $0x38;
	[tilespmem:$0x8800] =	vst v63  }
0xcf: {  	_ =	swait.ge [sflag:s9], $0x800  }
0xd0: {  	[sflag:s9] =	ssyncset.done $0x0  }
0xd1: {  	[sflag:s9] =	ssyncadd.s32 $0xFFFFF800  }
0xd2: {  	_ =	sfence.sel $0x180000  }
0xd3: {  	[bflag:$0x0] =	sbarrier.arrive $0xFFFF  }
0xd4: {  	p0 =	sne.s32 s1, $0x0;
	_ =	strace $0x90000047  }
0xd5: {  	s0 =	sadd.s32 @!p0 $0x100000, s0;
	[bflag:$0x2] =	sbarrier.arrive $0xFFFF  }
0xd6: {  	[sflag:s0] =	ssyncadd.tile.s32 @!p0 $0x1;
	_ =	shalt  }
.Lfunc_end2:
_tile_overlayer_lowered:
.L_overlay_start_2:
0xd7: {  	(tag) =	ssettag $0x2  }
0xd8: {  	s0 =	rddreg [dreg:$0x0];
	s2 =	stileid.u32  }
0xd9: {  	s1 =	rddreg [dreg:$0x1];
	p0 =	sne.s32 s2, $0x0  }
0xda: {  	s3 =	rddreg [dreg:$0x2];
	[bflag:$0x3] =	sbarrier.arrive $0xFFFF;
	s2 =	simm.s32 @!p0 $0x1C01  }
0xdb: {  	[timem:s3], [sflag:s2] =	dma.local @!p0 [hbm:s0], s1  }
0xdc: {  	s0 =	simm.s32 @!p0 $0x1  }
0xdd: {  	_ =	swait.ge @!p0 [sflag:s0], s1  }
0xde: {  	s1 =	ssub.s32 @!p0 $0x0, s1;
	[sflag:s0] =	ssyncset.done @!p0 $0x0  }
0xdf: {  	[sflag:s0] =	ssyncadd.s32 @!p0 s1  }
0xe0: {  	[bflag:$0x3] =	sbarrier.arrive $0xFFFF  }
0xe1: {  	_ =	shalt  }

</sc_bundles>
